<compile_context>
chip_gen: v7x
topology: tpu7x:2x2x1
jax: 0.10.2.dev20260603
libtpu: 0.0.44.dev20260713+nightly
codegen_flags: <defaults>
</compile_context>

<pallas_src>
import functools

import jax
import jax.numpy as jnp
from jax import lax
from jax.experimental import pallas as pl
from jax.experimental.pallas import tpu as pltpu
from jax.experimental.pallas import tpu_sc as plsc

NC = 2
NS = 16
NW = NC * NS

VOCAB = 1000
D = 64
B_TOTAL = 1024 * 200
CHUNK = 128
N_CHUNKS = B_TOTAL // (NW * CHUNK)
PER_W = N_CHUNKS * CHUNK
RING = 10
LOOKAHEAD = 5


def _body(idx_hbm, table_hbm, out_hbm, idx_v, tsh, rows, gsem, wsem):
    wid = lax.axis_index("s") * NC + lax.axis_index("c")
    base = wid * PER_W

    @pl.when(lax.axis_index("s") == 0)
    def _():
        pltpu.sync_copy(table_hbm, tsh)

    pltpu.sync_copy(idx_hbm.at[wid], idx_v)
    plsc.subcore_barrier()

    def gather(c, slot):
        pltpu.async_copy(tsh.at[idx_v.at[c]], rows.at[slot], gsem.at[slot])

    def wait_gather(c, slot):
        pltpu.make_async_copy(
            tsh.at[idx_v.at[c]], rows.at[slot], gsem.at[slot]).wait()

    def write(c, slot):
        pltpu.async_copy(
            rows.at[slot], out_hbm.at[pl.ds(base + c * CHUNK, CHUNK)],
            wsem.at[slot])

    def wait_write(c, slot):
        pltpu.make_async_copy(
            rows.at[slot], out_hbm.at[pl.ds(base + c * CHUNK, CHUNK)],
            wsem.at[slot]).wait()

    for j in range(LOOKAHEAD):
        gather(j, j)

    @pl.loop(0, N_CHUNKS, step=RING)
    def _(g):
        for j in range(RING):
            c = g + j
            bf = (j + LOOKAHEAD) % RING

            def reuse(c=c, bf=bf):
                wait_write(c - LOOKAHEAD, bf)
                gather(c + LOOKAHEAD, bf)

            if j < LOOKAHEAD:
                @pl.when(g > 0)
                def _(reuse=reuse):
                    reuse()

                @pl.when(g == 0)
                def _(c=c, bf=bf):
                    gather(c + LOOKAHEAD, bf)
            else:
                @pl.when(g < N_CHUNKS - RING)
                def _(reuse=reuse):
                    reuse()

                @pl.when(g == N_CHUNKS - RING)
                def _(c=c, bf=bf):
                    wait_write(c - LOOKAHEAD, bf)

            wait_gather(c, j)
            write(c, j)

    for j in range(RING - LOOKAHEAD, RING):
        wait_write(N_CHUNKS - RING + j, j)


@jax.jit
def _lookup(idx, in_embed):
    mesh = plsc.VectorSubcoreMesh(core_axis_name="c", subcore_axis_name="s")
    f = pl.kernel(
        _body,
        out_type=jax.ShapeDtypeStruct((B_TOTAL, D), jnp.float32),
        mesh=mesh,
        scratch_types=[
            pltpu.VMEM((N_CHUNKS, CHUNK), jnp.int32),
            pltpu.VMEM_SHARED((VOCAB, D), jnp.float32),
            pltpu.VMEM((RING, CHUNK, D), jnp.float32),
            pltpu.SemaphoreType.DMA((RING,)),
            pltpu.SemaphoreType.DMA((RING,)),
        ],
        compiler_params=pltpu.CompilerParams(use_tc_tiling_on_sc=False),
    )
    return f(idx, in_embed)


def kernel(indices, in_embed, out_embed):
    del out_embed
    bsz, hist = indices.shape
    idx = indices.astype(jnp.int32).reshape(NW, N_CHUNKS, CHUNK)
    out = _lookup(idx, in_embed)
    return out.reshape(bsz, hist, D)

# --- scband reference (transcript-rebuilt; emitter-appended) ---
"""Pipeline reference for scband-word2-vec-net-10608569221529 (READ-ONLY COPY).

The authoritative reference and input builder live on the scoring server;
editing this copy changes nothing except your own understanding.
"""

import jax, jax.numpy as jnp
import numpy as np

VOCAB_SIZE = 1000
EMBED_SIZE = 64
BATCH = 1024
HIST = 200

def setup_inputs(seed: int = 0) -> dict:
    key = jax.random.key(seed)
    k1, k2, k3 = jax.random.split(key, 3)
    indices = jax.random.randint(k1, (BATCH, HIST), 0, VOCAB_SIZE)
    in_embed = jax.random.normal(k2, (VOCAB_SIZE, EMBED_SIZE), dtype=jnp.float32)
    out_embed = jax.random.normal(k3, (VOCAB_SIZE, EMBED_SIZE), dtype=jnp.float32)
    return {"indices": indices, "in_embed": in_embed, "out_embed": out_embed}

def reference(indices, in_embed, out_embed):
    # Word2Vec input-side embedding lookup: equivalent to self.in_embed(indices).
    # out_embed is the output-side (context) table held by the module; it is a
    # module parameter but is not consumed by this lookup path.
    emb = jnp.take(in_embed, indices, axis=0)
    return emb

if __name__ == "__main__":
    import jax
    _d = setup_inputs()
    print(jax.jit(kernel)(*tuple(_d.values())))

</pallas_src>

<mosaic_0001>
#map = affine_map<(d0, d1) -> (0, 0, 0)>
#map1 = affine_map<(d0, d1) -> (0, 0)>
module attributes {stable_mosaic.version = 14 : i64} {
  func.func @_body(%arg0: i32, %arg1: i32, %arg2: memref<32x50x128xi32, #tpu.memory_space<hbm>>, %arg3: memref<1000x64xf32, #tpu.memory_space<hbm>>, %arg4: memref<204800x64xf32, #tpu.memory_space<hbm>>, %arg5: memref<50x128xi32, #tpu.memory_space<vmem>>, %arg6: memref<1000x64xf32, #tpu.memory_space<vmem_shared>>, %arg7: memref<10x128x64xf32, #tpu.memory_space<vmem>>, %arg8: memref<10x!tpu.dma_semaphore, #tpu.memory_space<semaphore_mem>>, %arg9: memref<10x!tpu.dma_semaphore, #tpu.memory_space<semaphore_mem>>) attributes {dimension_semantics = [#tpu.dimension_semantics<core_parallel>, #tpu.dimension_semantics<subcore_parallel>], iteration_bounds = array<i64: 2, 16>, scalar_prefetch = 0 : i64, scratch_operands = 5 : i64, tpu.core_type = #tpu.core_type<sc_vector_subcore>, window_params = [{transform_indices = #map}, {transform_indices = #map1}, {transform_indices = #map1}]} {
    %mul3A = arith.constant 2 : i32
    %mul3A_0 = arith.muli %arg1, %mul3A : i32
    %add3A = arith.addi %mul3A_0, %arg0 : i32
    %mul3A_1 = arith.constant 6400 : i32
    %mul3A_2 = arith.muli %add3A, %mul3A_1 : i32
    %eq3A = arith.constant 0 : i32
    %eq3A_3 = arith.cmpi eq, %arg1, %eq3A : i32
    %convert_element_type3A = arith.extui %eq3A_3 : i1 to i32
    %cond3A = arith.constant 0 : i32
    %cond3A_4 = arith.cmpi ne, %convert_element_type3A, %cond3A : i32
    scf.if %cond3A_4 {
      "tpu.region"() ({
        %run_scoped3A = tpu.sem_alloc : memref<!tpu.dma_semaphore, #tpu.memory_space<semaphore_mem>>
        tpu.enqueue_dma source(%arg3 : memref<1000x64xf32, #tpu.memory_space<hbm>>) target(%arg6 : memref<1000x64xf32, #tpu.memory_space<vmem_shared>>) target_semaphore(%run_scoped3A : memref<!tpu.dma_semaphore, #tpu.memory_space<semaphore_mem>>)
        tpu.wait_dma2 semaphore(%run_scoped3A : memref<!tpu.dma_semaphore, #tpu.memory_space<semaphore_mem>>) src(%arg3 : memref<1000x64xf32, #tpu.memory_space<hbm>>) dst(%arg6 : memref<1000x64xf32, #tpu.memory_space<vmem_shared>>)
        tpu.yield
      }) : () -> ()
    } else {
    }
    "tpu.region"() ({
      %run_scoped3A = tpu.sem_alloc : memref<!tpu.dma_semaphore, #tpu.memory_space<semaphore_mem>>
      %dma_start3A_172 = arith.constant 0 : i32
      %dma_start3A_173 = arith.constant 0 : i32
      %dma_start3A_174 = tpu.memref_slice %arg2[%add3A, %dma_start3A_172, %dma_start3A_173] : memref<32x50x128xi32, #tpu.memory_space<hbm>> -> memref<1x50x128xi32, #tpu.memory_space<hbm>>
      %dma_start3A_175 = tpu.memref_squeeze %dma_start3A_174 : memref<1x50x128xi32, #tpu.memory_space<hbm>> -> memref<50x128xi32, #tpu.memory_space<hbm>>
      %dma_start3A_176 = arith.constant 0 : i32
      %dma_start3A_177 = arith.constant 0 : i32
      %dma_start3A_178 = tpu.memref_slice %arg2[%add3A, %dma_start3A_176, %dma_start3A_177] : memref<32x50x128xi32, #tpu.memory_space<hbm>> -> memref<1x50x128xi32, #tpu.memory_space<hbm>>
      %dma_start3A_179 = tpu.memref_squeeze %dma_start3A_178 : memref<1x50x128xi32, #tpu.memory_space<hbm>> -> memref<50x128xi32, #tpu.memory_space<hbm>>
      tpu.enqueue_dma source(%dma_start3A_179 : memref<50x128xi32, #tpu.memory_space<hbm>>) target(%arg5 : memref<50x128xi32, #tpu.memory_space<vmem>>) target_semaphore(%run_scoped3A : memref<!tpu.dma_semaphore, #tpu.memory_space<semaphore_mem>>)
      %dma_wait3A_180 = arith.constant 0 : i32
      %dma_wait3A_181 = arith.constant 0 : i32
      %dma_wait3A_182 = tpu.memref_slice %arg2[%add3A, %dma_wait3A_180, %dma_wait3A_181] : memref<32x50x128xi32, #tpu.memory_space<hbm>> -> memref<1x50x128xi32, #tpu.memory_space<hbm>>
      %dma_wait3A_183 = tpu.memref_squeeze %dma_wait3A_182 : memref<1x50x128xi32, #tpu.memory_space<hbm>> -> memref<50x128xi32, #tpu.memory_space<hbm>>
      %dma_wait3A_184 = arith.constant 0 : i32
      %dma_wait3A_185 = arith.constant 0 : i32
      %dma_wait3A_186 = tpu.memref_slice %arg2[%add3A, %dma_wait3A_184, %dma_wait3A_185] : memref<32x50x128xi32, #tpu.memory_space<hbm>> -> memref<1x50x128xi32, #tpu.memory_space<hbm>>
      %dma_wait3A_187 = tpu.memref_squeeze %dma_wait3A_186 : memref<1x50x128xi32, #tpu.memory_space<hbm>> -> memref<50x128xi32, #tpu.memory_space<hbm>>
      tpu.wait_dma2 semaphore(%run_scoped3A : memref<!tpu.dma_semaphore, #tpu.memory_space<semaphore_mem>>) src(%dma_wait3A_187 : memref<50x128xi32, #tpu.memory_space<hbm>>) dst(%arg5 : memref<50x128xi32, #tpu.memory_space<vmem>>)
      tpu.yield
    }) : () -> ()
    %barrier3A = arith.constant 0 : index
    tpu.barrier barrier_id(%barrier3A)
    %dma_start3A = arith.constant 0 : i32
    %dma_start3A_5 = arith.constant 0 : i32
    %dma_start3A_6 = arith.constant 0 : i32
    %dma_start3A_7 = arith.constant 0 : i32
    %dma_start3A_8 = arith.constant 0 : i32
    %dma_start3A_9 = tpu.memref_slice %arg7[%dma_start3A_5, %dma_start3A_7, %dma_start3A_8] : memref<10x128x64xf32, #tpu.memory_space<vmem>> -> memref<1x128x64xf32, #tpu.memory_space<vmem>>
    %dma_start3A_10 = tpu.memref_squeeze %dma_start3A_9 : memref<1x128x64xf32, #tpu.memory_space<vmem>> -> memref<128x64xf32, #tpu.memory_space<vmem>>
    %dma_start3A_11 = arith.constant 0 : i32
    %dma_start3A_12 = tpu.memref_slice %arg5[%dma_start3A, %dma_start3A_11] : memref<50x128xi32, #tpu.memory_space<vmem>> -> memref<1x128xi32, #tpu.memory_space<vmem>>
    %dma_start3A_13 = tpu.memref_squeeze %dma_start3A_12 : memref<1x128xi32, #tpu.memory_space<vmem>> -> memref<128xi32, #tpu.memory_space<vmem>>
    %dma_start3A_14 = arith.constant 0 : i32
    %dma_start3A_15 = arith.constant 0 : i32
    %dma_start3A_16 = tpu.memref_slice %arg6[%dma_start3A_14, %dma_start3A_15] : memref<1000x64xf32, #tpu.memory_space<vmem_shared>> -> memref<1000x64xf32, #tpu.memory_space<vmem_shared>>
    %dma_start3A_17 = tpu.memref_slice %arg8[%dma_start3A_6] : memref<10x!tpu.dma_semaphore, #tpu.memory_space<semaphore_mem>> -> memref<1x!tpu.dma_semaphore, #tpu.memory_space<semaphore_mem>>
    %dma_start3A_18 = tpu.memref_squeeze %dma_start3A_17 : memref<1x!tpu.dma_semaphore, #tpu.memory_space<semaphore_mem>> -> memref<!tpu.dma_semaphore, #tpu.memory_space<semaphore_mem>>
    tpu.enqueue_indirect_dma source(%dma_start3A_16 : memref<1000x64xf32, #tpu.memory_space<vmem_shared>>) target(%dma_start3A_10 : memref<128x64xf32, #tpu.memory_space<vmem>>) offsets(%dma_start3A_13 : memref<128xi32, #tpu.memory_space<vmem>>) semaphore(%dma_start3A_18 : memref<!tpu.dma_semaphore, #tpu.memory_space<semaphore_mem>>)
    %dma_start3A_19 = arith.constant 1 : i32
    %dma_start3A_20 = arith.constant 1 : i32
    %dma_start3A_21 = arith.constant 1 : i32
    %dma_start3A_22 = arith.constant 0 : i32
    %dma_start3A_23 = arith.constant 0 : i32
    %dma_start3A_24 = tpu.memref_slice %arg7[%dma_start3A_20, %dma_start3A_22, %dma_start3A_23] : memref<10x128x64xf32, #tpu.memory_space<vmem>> -> memref<1x128x64xf32, #tpu.memory_space<vmem>>
    %dma_start3A_25 = tpu.memref_squeeze %dma_start3A_24 : memref<1x128x64xf32, #tpu.memory_space<vmem>> -> memref<128x64xf32, #tpu.memory_space<vmem>>
    %dma_start3A_26 = arith.constant 0 : i32
    %dma_start3A_27 = tpu.memref_slice %arg5[%dma_start3A_19, %dma_start3A_26] : memref<50x128xi32, #tpu.memory_space<vmem>> -> memref<1x128xi32, #tpu.memory_space<vmem>>
    %dma_start3A_28 = tpu.memref_squeeze %dma_start3A_27 : memref<1x128xi32, #tpu.memory_space<vmem>> -> memref<128xi32, #tpu.memory_space<vmem>>
    %dma_start3A_29 = arith.constant 0 : i32
    %dma_start3A_30 = arith.constant 0 : i32
    %dma_start3A_31 = tpu.memref_slice %arg6[%dma_start3A_29, %dma_start3A_30] : memref<1000x64xf32, #tpu.memory_space<vmem_shared>> -> memref<1000x64xf32, #tpu.memory_space<vmem_shared>>
    %dma_start3A_32 = tpu.memref_slice %arg8[%dma_start3A_21] : memref<10x!tpu.dma_semaphore, #tpu.memory_space<semaphore_mem>> -> memref<1x!tpu.dma_semaphore, #tpu.memory_space<semaphore_mem>>
    %dma_start3A_33 = tpu.memref_squeeze %dma_start3A_32 : memref<1x!tpu.dma_semaphore, #tpu.memory_space<semaphore_mem>> -> memref<!tpu.dma_semaphore, #tpu.memory_space<semaphore_mem>>
    tpu.enqueue_indirect_dma source(%dma_start3A_31 : memref<1000x64xf32, #tpu.memory_space<vmem_shared>>) target(%dma_start3A_25 : memref<128x64xf32, #tpu.memory_space<vmem>>) offsets(%dma_start3A_28 : memref<128xi32, #tpu.memory_space<vmem>>) semaphore(%dma_start3A_33 : memref<!tpu.dma_semaphore, #tpu.memory_space<semaphore_mem>>)
    %dma_start3A_34 = arith.constant 2 : i32
    %dma_start3A_35 = arith.constant 2 : i32
    %dma_start3A_36 = arith.constant 2 : i32
    %dma_start3A_37 = arith.constant 0 : i32
    %dma_start3A_38 = arith.constant 0 : i32
    %dma_start3A_39 = tpu.memref_slice %arg7[%dma_start3A_35, %dma_start3A_37, %dma_start3A_38] : memref<10x128x64xf32, #tpu.memory_space<vmem>> -> memref<1x128x64xf32, #tpu.memory_space<vmem>>
    %dma_start3A_40 = tpu.memref_squeeze %dma_start3A_39 : memref<1x128x64xf32, #tpu.memory_space<vmem>> -> memref<128x64xf32, #tpu.memory_space<vmem>>
    %dma_start3A_41 = arith.constant 0 : i32
    %dma_start3A_42 = tpu.memref_slice %arg5[%dma_start3A_34, %dma_start3A_41] : memref<50x128xi32, #tpu.memory_space<vmem>> -> memref<1x128xi32, #tpu.memory_space<vmem>>
    %dma_start3A_43 = tpu.memref_squeeze %dma_start3A_42 : memref<1x128xi32, #tpu.memory_space<vmem>> -> memref<128xi32, #tpu.memory_space<vmem>>
    %dma_start3A_44 = arith.constant 0 : i32
    %dma_start3A_45 = arith.constant 0 : i32
    %dma_start3A_46 = tpu.memref_slice %arg6[%dma_start3A_44, %dma_start3A_45] : memref<1000x64xf32, #tpu.memory_space<vmem_shared>> -> memref<1000x64xf32, #tpu.memory_space<vmem_shared>>
    %dma_start3A_47 = tpu.memref_slice %arg8[%dma_start3A_36] : memref<10x!tpu.dma_semaphore, #tpu.memory_space<semaphore_mem>> -> memref<1x!tpu.dma_semaphore, #tpu.memory_space<semaphore_mem>>
    %dma_start3A_48 = tpu.memref_squeeze %dma_start3A_47 : memref<1x!tpu.dma_semaphore, #tpu.memory_space<semaphore_mem>> -> memref<!tpu.dma_semaphore, #tpu.memory_space<semaphore_mem>>
    tpu.enqueue_indirect_dma source(%dma_start3A_46 : memref<1000x64xf32, #tpu.memory_space<vmem_shared>>) target(%dma_start3A_40 : memref<128x64xf32, #tpu.memory_space<vmem>>) offsets(%dma_start3A_43 : memref<128xi32, #tpu.memory_space<vmem>>) semaphore(%dma_start3A_48 : memref<!tpu.dma_semaphore, #tpu.memory_space<semaphore_mem>>)
    %dma_start3A_49 = arith.constant 3 : i32
    %dma_start3A_50 = arith.constant 3 : i32
    %dma_start3A_51 = arith.constant 3 : i32
    %dma_start3A_52 = arith.constant 0 : i32
    %dma_start3A_53 = arith.constant 0 : i32
    %dma_start3A_54 = tpu.memref_slice %arg7[%dma_start3A_50, %dma_start3A_52, %dma_start3A_53] : memref<10x128x64xf32, #tpu.memory_space<vmem>> -> memref<1x128x64xf32, #tpu.memory_space<vmem>>
    %dma_start3A_55 = tpu.memref_squeeze %dma_start3A_54 : memref<1x128x64xf32, #tpu.memory_space<vmem>> -> memref<128x64xf32, #tpu.memory_space<vmem>>
    %dma_start3A_56 = arith.constant 0 : i32
    %dma_start3A_57 = tpu.memref_slice %arg5[%dma_start3A_49, %dma_start3A_56] : memref<50x128xi32, #tpu.memory_space<vmem>> -> memref<1x128xi32, #tpu.memory_space<vmem>>
    %dma_start3A_58 = tpu.memref_squeeze %dma_start3A_57 : memref<1x128xi32, #tpu.memory_space<vmem>> -> memref<128xi32, #tpu.memory_space<vmem>>
    %dma_start3A_59 = arith.constant 0 : i32
    %dma_start3A_60 = arith.constant 0 : i32
    %dma_start3A_61 = tpu.memref_slice %arg6[%dma_start3A_59, %dma_start3A_60] : memref<1000x64xf32, #tpu.memory_space<vmem_shared>> -> memref<1000x64xf32, #tpu.memory_space<vmem_shared>>
    %dma_start3A_62 = tpu.memref_slice %arg8[%dma_start3A_51] : memref<10x!tpu.dma_semaphore, #tpu.memory_space<semaphore_mem>> -> memref<1x!tpu.dma_semaphore, #tpu.memory_space<semaphore_mem>>
    %dma_start3A_63 = tpu.memref_squeeze %dma_start3A_62 : memref<1x!tpu.dma_semaphore, #tpu.memory_space<semaphore_mem>> -> memref<!tpu.dma_semaphore, #tpu.memory_space<semaphore_mem>>
    tpu.enqueue_indirect_dma source(%dma_start3A_61 : memref<1000x64xf32, #tpu.memory_space<vmem_shared>>) target(%dma_start3A_55 : memref<128x64xf32, #tpu.memory_space<vmem>>) offsets(%dma_start3A_58 : memref<128xi32, #tpu.memory_space<vmem>>) semaphore(%dma_start3A_63 : memref<!tpu.dma_semaphore, #tpu.memory_space<semaphore_mem>>)
    %dma_start3A_64 = arith.constant 4 : i32
    %dma_start3A_65 = arith.constant 4 : i32
    %dma_start3A_66 = arith.constant 4 : i32
    %dma_start3A_67 = arith.constant 0 : i32
    %dma_start3A_68 = arith.constant 0 : i32
    %dma_start3A_69 = tpu.memref_slice %arg7[%dma_start3A_65, %dma_start3A_67, %dma_start3A_68] : memref<10x128x64xf32, #tpu.memory_space<vmem>> -> memref<1x128x64xf32, #tpu.memory_space<vmem>>
    %dma_start3A_70 = tpu.memref_squeeze %dma_start3A_69 : memref<1x128x64xf32, #tpu.memory_space<vmem>> -> memref<128x64xf32, #tpu.memory_space<vmem>>
    %dma_start3A_71 = arith.constant 0 : i32
    %dma_start3A_72 = tpu.memref_slice %arg5[%dma_start3A_64, %dma_start3A_71] : memref<50x128xi32, #tpu.memory_space<vmem>> -> memref<1x128xi32, #tpu.memory_space<vmem>>
    %dma_start3A_73 = tpu.memref_squeeze %dma_start3A_72 : memref<1x128xi32, #tpu.memory_space<vmem>> -> memref<128xi32, #tpu.memory_space<vmem>>
    %dma_start3A_74 = arith.constant 0 : i32
    %dma_start3A_75 = arith.constant 0 : i32
    %dma_start3A_76 = tpu.memref_slice %arg6[%dma_start3A_74, %dma_start3A_75] : memref<1000x64xf32, #tpu.memory_space<vmem_shared>> -> memref<1000x64xf32, #tpu.memory_space<vmem_shared>>
    %dma_start3A_77 = tpu.memref_slice %arg8[%dma_start3A_66] : memref<10x!tpu.dma_semaphore, #tpu.memory_space<semaphore_mem>> -> memref<1x!tpu.dma_semaphore, #tpu.memory_space<semaphore_mem>>
    %dma_start3A_78 = tpu.memref_squeeze %dma_start3A_77 : memref<1x!tpu.dma_semaphore, #tpu.memory_space<semaphore_mem>> -> memref<!tpu.dma_semaphore, #tpu.memory_space<semaphore_mem>>
    tpu.enqueue_indirect_dma source(%dma_start3A_76 : memref<1000x64xf32, #tpu.memory_space<vmem_shared>>) target(%dma_start3A_70 : memref<128x64xf32, #tpu.memory_space<vmem>>) offsets(%dma_start3A_73 : memref<128xi32, #tpu.memory_space<vmem>>) semaphore(%dma_start3A_78 : memref<!tpu.dma_semaphore, #tpu.memory_space<semaphore_mem>>)
    %scan3A = arith.constant 0 : i32
    %scan3A_79 = arith.constant 5 : i32
    %scan3A_80 = arith.addi %scan3A, %scan3A_79 : i32
    %scan3A_81 = arith.constant 1 : i32
    scf.for %scan3A_172 = %scan3A to %scan3A_80 step %scan3A_81  : i32 {
      %mul3A_173 = arith.constant 10 : i32
      %mul3A_174 = arith.muli %scan3A_172, %mul3A_173 : i32
      %add3A_175 = arith.constant 0 : i32
      %add3A_176 = arith.addi %add3A_175, %mul3A_174 : i32
      %add3A_177 = arith.constant 0 : i32
      %add3A_178 = arith.addi %add3A_176, %add3A_177 : i32
      %gt3A = arith.constant 0 : i32
      %gt3A_179 = arith.cmpi sgt, %add3A_176, %gt3A : i32
      %convert_element_type3A_180 = arith.extui %gt3A_179 : i1 to i32
      %cond3A_181 = arith.constant 0 : i32
      %cond3A_182 = arith.cmpi ne, %convert_element_type3A_180, %cond3A_181 : i32
      scf.if %cond3A_182 {
        %sub3A = arith.constant 5 : i32
        %sub3A_625 = arith.subi %add3A_178, %sub3A : i32
        %mul3A_626 = arith.constant 128 : i32
        %mul3A_627 = arith.muli %sub3A_625, %mul3A_626 : i32
        %add3A_628 = arith.addi %mul3A_2, %mul3A_627 : i32
        %dma_wait3A_629 = arith.constant 5 : i32
        %dma_wait3A_630 = arith.constant 5 : i32
        %dma_wait3A_631 = arith.constant 0 : i32
        %dma_wait3A_632 = arith.constant 0 : i32
        %dma_wait3A_633 = tpu.memref_slice %arg7[%dma_wait3A_629, %dma_wait3A_631, %dma_wait3A_632] : memref<10x128x64xf32, #tpu.memory_space<vmem>> -> memref<1x128x64xf32, #tpu.memory_space<vmem>>
        %dma_wait3A_634 = tpu.memref_squeeze %dma_wait3A_633 : memref<1x128x64xf32, #tpu.memory_space<vmem>> -> memref<128x64xf32, #tpu.memory_space<vmem>>
        %dma_wait3A_635 = arith.constant 0 : i32
        %dma_wait3A_636 = tpu.memref_slice %arg4[%add3A_628, %dma_wait3A_635] : memref<204800x64xf32, #tpu.memory_space<hbm>> -> memref<128x64xf32, #tpu.memory_space<hbm>>
        %dma_wait3A_637 = tpu.memref_slice %arg9[%dma_wait3A_630] : memref<10x!tpu.dma_semaphore, #tpu.memory_space<semaphore_mem>> -> memref<1x!tpu.dma_semaphore, #tpu.memory_space<semaphore_mem>>
        %dma_wait3A_638 = tpu.memref_squeeze %dma_wait3A_637 : memref<1x!tpu.dma_semaphore, #tpu.memory_space<semaphore_mem>> -> memref<!tpu.dma_semaphore, #tpu.memory_space<semaphore_mem>>
        %dma_wait3A_639 = arith.constant 0 : i32
        %dma_wait3A_640 = tpu.memref_slice %arg4[%add3A_628, %dma_wait3A_639] : memref<204800x64xf32, #tpu.memory_space<hbm>> -> memref<128x64xf32, #tpu.memory_space<hbm>>
        %dma_wait3A_641 = arith.constant 0 : i32
        %dma_wait3A_642 = arith.constant 0 : i32
        %dma_wait3A_643 = tpu.memref_slice %arg7[%dma_wait3A_629, %dma_wait3A_641, %dma_wait3A_642] : memref<10x128x64xf32, #tpu.memory_space<vmem>> -> memref<1x128x64xf32, #tpu.memory_space<vmem>>
        %dma_wait3A_644 = tpu.memref_squeeze %dma_wait3A_643 : memref<1x128x64xf32, #tpu.memory_space<vmem>> -> memref<128x64xf32, #tpu.memory_space<vmem>>
        tpu.wait_dma2 semaphore(%dma_wait3A_638 : memref<!tpu.dma_semaphore, #tpu.memory_space<semaphore_mem>>) src(%dma_wait3A_644 : memref<128x64xf32, #tpu.memory_space<vmem>>) dst(%dma_wait3A_640 : memref<128x64xf32, #tpu.memory_space<hbm>>)
        %add3A_645 = arith.constant 5 : i32
        %add3A_646 = arith.addi %add3A_178, %add3A_645 : i32
        %dma_start3A_647 = arith.constant 5 : i32
        %dma_start3A_648 = arith.constant 5 : i32
        %dma_start3A_649 = arith.constant 0 : i32
        %dma_start3A_650 = arith.constant 0 : i32
        %dma_start3A_651 = tpu.memref_slice %arg7[%dma_start3A_647, %dma_start3A_649, %dma_start3A_650] : memref<10x128x64xf32, #tpu.memory_space<vmem>> -> memref<1x128x64xf32, #tpu.memory_space<vmem>>
        %dma_start3A_652 = tpu.memref_squeeze %dma_start3A_651 : memref<1x128x64xf32, #tpu.memory_space<vmem>> -> memref<128x64xf32, #tpu.memory_space<vmem>>
        %dma_start3A_653 = arith.constant 0 : i32
        %dma_start3A_654 = tpu.memref_slice %arg5[%add3A_646, %dma_start3A_653] : memref<50x128xi32, #tpu.memory_space<vmem>> -> memref<1x128xi32, #tpu.memory_space<vmem>>
        %dma_start3A_655 = tpu.memref_squeeze %dma_start3A_654 : memref<1x128xi32, #tpu.memory_space<vmem>> -> memref<128xi32, #tpu.memory_space<vmem>>
        %dma_start3A_656 = arith.constant 0 : i32
        %dma_start3A_657 = arith.constant 0 : i32
        %dma_start3A_658 = tpu.memref_slice %arg6[%dma_start3A_656, %dma_start3A_657] : memref<1000x64xf32, #tpu.memory_space<vmem_shared>> -> memref<1000x64xf32, #tpu.memory_space<vmem_shared>>
        %dma_start3A_659 = tpu.memref_slice %arg8[%dma_start3A_648] : memref<10x!tpu.dma_semaphore, #tpu.memory_space<semaphore_mem>> -> memref<1x!tpu.dma_semaphore, #tpu.memory_space<semaphore_mem>>
        %dma_start3A_660 = tpu.memref_squeeze %dma_start3A_659 : memref<1x!tpu.dma_semaphore, #tpu.memory_space<semaphore_mem>> -> memref<!tpu.dma_semaphore, #tpu.memory_space<semaphore_mem>>
        tpu.enqueue_indirect_dma source(%dma_start3A_658 : memref<1000x64xf32, #tpu.memory_space<vmem_shared>>) target(%dma_start3A_652 : memref<128x64xf32, #tpu.memory_space<vmem>>) offsets(%dma_start3A_655 : memref<128xi32, #tpu.memory_space<vmem>>) semaphore(%dma_start3A_660 : memref<!tpu.dma_semaphore, #tpu.memory_space<semaphore_mem>>)
      } else {
      }
      %eq3A_183 = arith.constant 0 : i32
      %eq3A_184 = arith.cmpi eq, %add3A_176, %eq3A_183 : i32
      %convert_element_type3A_185 = arith.extui %eq3A_184 : i1 to i32
      %cond3A_186 = arith.constant 0 : i32
      %cond3A_187 = arith.cmpi ne, %convert_element_type3A_185, %cond3A_186 : i32
      scf.if %cond3A_187 {
        %add3A_625 = arith.constant 5 : i32
        %add3A_626 = arith.addi %add3A_178, %add3A_625 : i32
        %dma_start3A_627 = arith.constant 5 : i32
        %dma_start3A_628 = arith.constant 5 : i32
        %dma_start3A_629 = arith.constant 0 : i32
        %dma_start3A_630 = arith.constant 0 : i32
        %dma_start3A_631 = tpu.memref_slice %arg7[%dma_start3A_627, %dma_start3A_629, %dma_start3A_630] : memref<10x128x64xf32, #tpu.memory_space<vmem>> -> memref<1x128x64xf32, #tpu.memory_space<vmem>>
        %dma_start3A_632 = tpu.memref_squeeze %dma_start3A_631 : memref<1x128x64xf32, #tpu.memory_space<vmem>> -> memref<128x64xf32, #tpu.memory_space<vmem>>
        %dma_start3A_633 = arith.constant 0 : i32
        %dma_start3A_634 = tpu.memref_slice %arg5[%add3A_626, %dma_start3A_633] : memref<50x128xi32, #tpu.memory_space<vmem>> -> memref<1x128xi32, #tpu.memory_space<vmem>>
        %dma_start3A_635 = tpu.memref_squeeze %dma_start3A_634 : memref<1x128xi32, #tpu.memory_space<vmem>> -> memref<128xi32, #tpu.memory_space<vmem>>
        %dma_start3A_636 = arith.constant 0 : i32
        %dma_start3A_637 = arith.constant 0 : i32
        %dma_start3A_638 = tpu.memref_slice %arg6[%dma_start3A_636, %dma_start3A_637] : memref<1000x64xf32, #tpu.memory_space<vmem_shared>> -> memref<1000x64xf32, #tpu.memory_space<vmem_shared>>
        %dma_start3A_639 = tpu.memref_slice %arg8[%dma_start3A_628] : memref<10x!tpu.dma_semaphore, #tpu.memory_space<semaphore_mem>> -> memref<1x!tpu.dma_semaphore, #tpu.memory_space<semaphore_mem>>
        %dma_start3A_640 = tpu.memref_squeeze %dma_start3A_639 : memref<1x!tpu.dma_semaphore, #tpu.memory_space<semaphore_mem>> -> memref<!tpu.dma_semaphore, #tpu.memory_space<semaphore_mem>>
        tpu.enqueue_indirect_dma source(%dma_start3A_638 : memref<1000x64xf32, #tpu.memory_space<vmem_shared>>) target(%dma_start3A_632 : memref<128x64xf32, #tpu.memory_space<vmem>>) offsets(%dma_start3A_635 : memref<128xi32, #tpu.memory_space<vmem>>) semaphore(%dma_start3A_640 : memref<!tpu.dma_semaphore, #tpu.memory_space<semaphore_mem>>)
      } else {
      }
      %dma_wait3A_188 = arith.constant 0 : i32
      %dma_wait3A_189 = arith.constant 0 : i32
      %dma_wait3A_190 = arith.constant 0 : i32
      %dma_wait3A_191 = arith.constant 0 : i32
      %dma_wait3A_192 = tpu.memref_slice %arg7[%dma_wait3A_188, %dma_wait3A_190, %dma_wait3A_191] : memref<10x128x64xf32, #tpu.memory_space<vmem>> -> memref<1x128x64xf32, #tpu.memory_space<vmem>>
      %dma_wait3A_193 = tpu.memref_squeeze %dma_wait3A_192 : memref<1x128x64xf32, #tpu.memory_space<vmem>> -> memref<128x64xf32, #tpu.memory_space<vmem>>
      %dma_wait3A_194 = arith.constant 0 : i32
      %dma_wait3A_195 = tpu.memref_slice %arg5[%add3A_178, %dma_wait3A_194] : memref<50x128xi32, #tpu.memory_space<vmem>> -> memref<1x128xi32, #tpu.memory_space<vmem>>
      %dma_wait3A_196 = tpu.memref_squeeze %dma_wait3A_195 : memref<1x128xi32, #tpu.memory_space<vmem>> -> memref<128xi32, #tpu.memory_space<vmem>>
      %dma_wait3A_197 = arith.constant 0 : i32
      %dma_wait3A_198 = arith.constant 0 : i32
      %dma_wait3A_199 = tpu.memref_slice %arg6[%dma_wait3A_197, %dma_wait3A_198] : memref<1000x64xf32, #tpu.memory_space<vmem_shared>> -> memref<1000x64xf32, #tpu.memory_space<vmem_shared>>
      %dma_wait3A_200 = tpu.memref_slice %arg8[%dma_wait3A_189] : memref<10x!tpu.dma_semaphore, #tpu.memory_space<semaphore_mem>> -> memref<1x!tpu.dma_semaphore, #tpu.memory_space<semaphore_mem>>
      %dma_wait3A_201 = tpu.memref_squeeze %dma_wait3A_200 : memref<1x!tpu.dma_semaphore, #tpu.memory_space<semaphore_mem>> -> memref<!tpu.dma_semaphore, #tpu.memory_space<semaphore_mem>>
      tpu.wait_indirect_dma semaphore(%dma_wait3A_201 : memref<!tpu.dma_semaphore, #tpu.memory_space<semaphore_mem>>) src(%dma_wait3A_199 : memref<1000x64xf32, #tpu.memory_space<vmem_shared>>) dst(%dma_wait3A_193 : memref<128x64xf32, #tpu.memory_space<vmem>>)
      %mul3A_202 = arith.constant 128 : i32
      %mul3A_203 = arith.muli %add3A_178, %mul3A_202 : i32
      %add3A_204 = arith.addi %mul3A_2, %mul3A_203 : i32
      %dma_start3A_205 = arith.constant 0 : i32
      %dma_start3A_206 = arith.constant 0 : i32
      %dma_start3A_207 = arith.constant 0 : i32
      %dma_start3A_208 = arith.constant 0 : i32
      %dma_start3A_209 = tpu.memref_slice %arg7[%dma_start3A_205, %dma_start3A_207, %dma_start3A_208] : memref<10x128x64xf32, #tpu.memory_space<vmem>> -> memref<1x128x64xf32, #tpu.memory_space<vmem>>
      %dma_start3A_210 = tpu.memref_squeeze %dma_start3A_209 : memref<1x128x64xf32, #tpu.memory_space<vmem>> -> memref<128x64xf32, #tpu.memory_space<vmem>>
      %dma_start3A_211 = arith.constant 0 : i32
      %dma_start3A_212 = tpu.memref_slice %arg4[%add3A_204, %dma_start3A_211] : memref<204800x64xf32, #tpu.memory_space<hbm>> -> memref<128x64xf32, #tpu.memory_space<hbm>>
      %dma_start3A_213 = tpu.memref_slice %arg9[%dma_start3A_206] : memref<10x!tpu.dma_semaphore, #tpu.memory_space<semaphore_mem>> -> memref<1x!tpu.dma_semaphore, #tpu.memory_space<semaphore_mem>>
      %dma_start3A_214 = tpu.memref_squeeze %dma_start3A_213 : memref<1x!tpu.dma_semaphore, #tpu.memory_space<semaphore_mem>> -> memref<!tpu.dma_semaphore, #tpu.memory_space<semaphore_mem>>
      %dma_start3A_215 = arith.constant 0 : i32
      %dma_start3A_216 = tpu.memref_slice %arg4[%add3A_204, %dma_start3A_215] : memref<204800x64xf32, #tpu.memory_space<hbm>> -> memref<128x64xf32, #tpu.memory_space<hbm>>
      %dma_start3A_217 = arith.constant 0 : i32
      %dma_start3A_218 = arith.constant 0 : i32
      %dma_start3A_219 = tpu.memref_slice %arg7[%dma_start3A_205, %dma_start3A_217, %dma_start3A_218] : memref<10x128x64xf32, #tpu.memory_space<vmem>> -> memref<1x128x64xf32, #tpu.memory_space<vmem>>
      %dma_start3A_220 = tpu.memref_squeeze %dma_start3A_219 : memref<1x128x64xf32, #tpu.memory_space<vmem>> -> memref<128x64xf32, #tpu.memory_space<vmem>>
      tpu.enqueue_dma source(%dma_start3A_220 : memref<128x64xf32, #tpu.memory_space<vmem>>) target(%dma_start3A_216 : memref<128x64xf32, #tpu.memory_space<hbm>>) target_semaphore(%dma_start3A_214 : memref<!tpu.dma_semaphore, #tpu.memory_space<semaphore_mem>>)
      %add3A_221 = arith.constant 1 : i32
      %add3A_222 = arith.addi %add3A_176, %add3A_221 : i32
      %gt3A_223 = arith.constant 0 : i32
      %gt3A_224 = arith.cmpi sgt, %add3A_176, %gt3A_223 : i32
      %convert_element_type3A_225 = arith.extui %gt3A_224 : i1 to i32
      %cond3A_226 = arith.constant 0 : i32
      %cond3A_227 = arith.cmpi ne, %convert_element_type3A_225, %cond3A_226 : i32
      scf.if %cond3A_227 {
        %sub3A = arith.constant 5 : i32
        %sub3A_625 = arith.subi %add3A_222, %sub3A : i32
        %mul3A_626 = arith.constant 128 : i32
        %mul3A_627 = arith.muli %sub3A_625, %mul3A_626 : i32
        %add3A_628 = arith.addi %mul3A_2, %mul3A_627 : i32
        %dma_wait3A_629 = arith.constant 6 : i32
        %dma_wait3A_630 = arith.constant 6 : i32
        %dma_wait3A_631 = arith.constant 0 : i32
        %dma_wait3A_632 = arith.constant 0 : i32
        %dma_wait3A_633 = tpu.memref_slice %arg7[%dma_wait3A_629, %dma_wait3A_631, %dma_wait3A_632] : memref<10x128x64xf32, #tpu.memory_space<vmem>> -> memref<1x128x64xf32, #tpu.memory_space<vmem>>
        %dma_wait3A_634 = tpu.memref_squeeze %dma_wait3A_633 : memref<1x128x64xf32, #tpu.memory_space<vmem>> -> memref<128x64xf32, #tpu.memory_space<vmem>>
        %dma_wait3A_635 = arith.constant 0 : i32
        %dma_wait3A_636 = tpu.memref_slice %arg4[%add3A_628, %dma_wait3A_635] : memref<204800x64xf32, #tpu.memory_space<hbm>> -> memref<128x64xf32, #tpu.memory_space<hbm>>
        %dma_wait3A_637 = tpu.memref_slice %arg9[%dma_wait3A_630] : memref<10x!tpu.dma_semaphore, #tpu.memory_space<semaphore_mem>> -> memref<1x!tpu.dma_semaphore, #tpu.memory_space<semaphore_mem>>
        %dma_wait3A_638 = tpu.memref_squeeze %dma_wait3A_637 : memref<1x!tpu.dma_semaphore, #tpu.memory_space<semaphore_mem>> -> memref<!tpu.dma_semaphore, #tpu.memory_space<semaphore_mem>>
        %dma_wait3A_639 = arith.constant 0 : i32
        %dma_wait3A_640 = tpu.memref_slice %arg4[%add3A_628, %dma_wait3A_639] : memref<204800x64xf32, #tpu.memory_space<hbm>> -> memref<128x64xf32, #tpu.memory_space<hbm>>
        %dma_wait3A_641 = arith.constant 0 : i32
        %dma_wait3A_642 = arith.constant 0 : i32
        %dma_wait3A_643 = tpu.memref_slice %arg7[%dma_wait3A_629, %dma_wait3A_641, %dma_wait3A_642] : memref<10x128x64xf32, #tpu.memory_space<vmem>> -> memref<1x128x64xf32, #tpu.memory_space<vmem>>
        %dma_wait3A_644 = tpu.memref_squeeze %dma_wait3A_643 : memref<1x128x64xf32, #tpu.memory_space<vmem>> -> memref<128x64xf32, #tpu.memory_space<vmem>>
        tpu.wait_dma2 semaphore(%dma_wait3A_638 : memref<!tpu.dma_semaphore, #tpu.memory_space<semaphore_mem>>) src(%dma_wait3A_644 : memref<128x64xf32, #tpu.memory_space<vmem>>) dst(%dma_wait3A_640 : memref<128x64xf32, #tpu.memory_space<hbm>>)
        %add3A_645 = arith.constant 5 : i32
        %add3A_646 = arith.addi %add3A_222, %add3A_645 : i32
        %dma_start3A_647 = arith.constant 6 : i32
        %dma_start3A_648 = arith.constant 6 : i32
        %dma_start3A_649 = arith.constant 0 : i32
        %dma_start3A_650 = arith.constant 0 : i32
        %dma_start3A_651 = tpu.memref_slice %arg7[%dma_start3A_647, %dma_start3A_649, %dma_start3A_650] : memref<10x128x64xf32, #tpu.memory_space<vmem>> -> memref<1x128x64xf32, #tpu.memory_space<vmem>>
        %dma_start3A_652 = tpu.memref_squeeze %dma_start3A_651 : memref<1x128x64xf32, #tpu.memory_space<vmem>> -> memref<128x64xf32, #tpu.memory_space<vmem>>
        %dma_start3A_653 = arith.constant 0 : i32
        %dma_start3A_654 = tpu.memref_slice %arg5[%add3A_646, %dma_start3A_653] : memref<50x128xi32, #tpu.memory_space<vmem>> -> memref<1x128xi32, #tpu.memory_space<vmem>>
        %dma_start3A_655 = tpu.memref_squeeze %dma_start3A_654 : memref<1x128xi32, #tpu.memory_space<vmem>> -> memref<128xi32, #tpu.memory_space<vmem>>
        %dma_start3A_656 = arith.constant 0 : i32
        %dma_start3A_657 = arith.constant 0 : i32
        %dma_start3A_658 = tpu.memref_slice %arg6[%dma_start3A_656, %dma_start3A_657] : memref<1000x64xf32, #tpu.memory_space<vmem_shared>> -> memref<1000x64xf32, #tpu.memory_space<vmem_shared>>
        %dma_start3A_659 = tpu.memref_slice %arg8[%dma_start3A_648] : memref<10x!tpu.dma_semaphore, #tpu.memory_space<semaphore_mem>> -> memref<1x!tpu.dma_semaphore, #tpu.memory_space<semaphore_mem>>
        %dma_start3A_660 = tpu.memref_squeeze %dma_start3A_659 : memref<1x!tpu.dma_semaphore, #tpu.memory_space<semaphore_mem>> -> memref<!tpu.dma_semaphore, #tpu.memory_space<semaphore_mem>>
        tpu.enqueue_indirect_dma source(%dma_start3A_658 : memref<1000x64xf32, #tpu.memory_space<vmem_shared>>) target(%dma_start3A_652 : memref<128x64xf32, #tpu.memory_space<vmem>>) offsets(%dma_start3A_655 : memref<128xi32, #tpu.memory_space<vmem>>) semaphore(%dma_start3A_660 : memref<!tpu.dma_semaphore, #tpu.memory_space<semaphore_mem>>)
      } else {
      }
      %eq3A_228 = arith.constant 0 : i32
      %eq3A_229 = arith.cmpi eq, %add3A_176, %eq3A_228 : i32
      %convert_element_type3A_230 = arith.extui %eq3A_229 : i1 to i32
      %cond3A_231 = arith.constant 0 : i32
      %cond3A_232 = arith.cmpi ne, %convert_element_type3A_230, %cond3A_231 : i32
      scf.if %cond3A_232 {
        %add3A_625 = arith.constant 5 : i32
        %add3A_626 = arith.addi %add3A_222, %add3A_625 : i32
        %dma_start3A_627 = arith.constant 6 : i32
        %dma_start3A_628 = arith.constant 6 : i32
        %dma_start3A_629 = arith.constant 0 : i32
        %dma_start3A_630 = arith.constant 0 : i32
        %dma_start3A_631 = tpu.memref_slice %arg7[%dma_start3A_627, %dma_start3A_629, %dma_start3A_630] : memref<10x128x64xf32, #tpu.memory_space<vmem>> -> memref<1x128x64xf32, #tpu.memory_space<vmem>>
        %dma_start3A_632 = tpu.memref_squeeze %dma_start3A_631 : memref<1x128x64xf32, #tpu.memory_space<vmem>> -> memref<128x64xf32, #tpu.memory_space<vmem>>
        %dma_start3A_633 = arith.constant 0 : i32
        %dma_start3A_634 = tpu.memref_slice %arg5[%add3A_626, %dma_start3A_633] : memref<50x128xi32, #tpu.memory_space<vmem>> -> memref<1x128xi32, #tpu.memory_space<vmem>>
        %dma_start3A_635 = tpu.memref_squeeze %dma_start3A_634 : memref<1x128xi32, #tpu.memory_space<vmem>> -> memref<128xi32, #tpu.memory_space<vmem>>
        %dma_start3A_636 = arith.constant 0 : i32
        %dma_start3A_637 = arith.constant 0 : i32
        %dma_start3A_638 = tpu.memref_slice %arg6[%dma_start3A_636, %dma_start3A_637] : memref<1000x64xf32, #tpu.memory_space<vmem_shared>> -> memref<1000x64xf32, #tpu.memory_space<vmem_shared>>
        %dma_start3A_639 = tpu.memref_slice %arg8[%dma_start3A_628] : memref<10x!tpu.dma_semaphore, #tpu.memory_space<semaphore_mem>> -> memref<1x!tpu.dma_semaphore, #tpu.memory_space<semaphore_mem>>
        %dma_start3A_640 = tpu.memref_squeeze %dma_start3A_639 : memref<1x!tpu.dma_semaphore, #tpu.memory_space<semaphore_mem>> -> memref<!tpu.dma_semaphore, #tpu.memory_space<semaphore_mem>>
        tpu.enqueue_indirect_dma source(%dma_start3A_638 : memref<1000x64xf32, #tpu.memory_space<vmem_shared>>) target(%dma_start3A_632 : memref<128x64xf32, #tpu.memory_space<vmem>>) offsets(%dma_start3A_635 : memref<128xi32, #tpu.memory_space<vmem>>) semaphore(%dma_start3A_640 : memref<!tpu.dma_semaphore, #tpu.memory_space<semaphore_mem>>)
      } else {
      }
      %dma_wait3A_233 = arith.constant 1 : i32
      %dma_wait3A_234 = arith.constant 1 : i32
      %dma_wait3A_235 = arith.constant 0 : i32
      %dma_wait3A_236 = arith.constant 0 : i32
      %dma_wait3A_237 = tpu.memref_slice %arg7[%dma_wait3A_233, %dma_wait3A_235, %dma_wait3A_236] : memref<10x128x64xf32, #tpu.memory_space<vmem>> -> memref<1x128x64xf32, #tpu.memory_space<vmem>>
      %dma_wait3A_238 = tpu.memref_squeeze %dma_wait3A_237 : memref<1x128x64xf32, #tpu.memory_space<vmem>> -> memref<128x64xf32, #tpu.memory_space<vmem>>
      %dma_wait3A_239 = arith.constant 0 : i32
      %dma_wait3A_240 = tpu.memref_slice %arg5[%add3A_222, %dma_wait3A_239] : memref<50x128xi32, #tpu.memory_space<vmem>> -> memref<1x128xi32, #tpu.memory_space<vmem>>
      %dma_wait3A_241 = tpu.memref_squeeze %dma_wait3A_240 : memref<1x128xi32, #tpu.memory_space<vmem>> -> memref<128xi32, #tpu.memory_space<vmem>>
      %dma_wait3A_242 = arith.constant 0 : i32
      %dma_wait3A_243 = arith.constant 0 : i32
      %dma_wait3A_244 = tpu.memref_slice %arg6[%dma_wait3A_242, %dma_wait3A_243] : memref<1000x64xf32, #tpu.memory_space<vmem_shared>> -> memref<1000x64xf32, #tpu.memory_space<vmem_shared>>
      %dma_wait3A_245 = tpu.memref_slice %arg8[%dma_wait3A_234] : memref<10x!tpu.dma_semaphore, #tpu.memory_space<semaphore_mem>> -> memref<1x!tpu.dma_semaphore, #tpu.memory_space<semaphore_mem>>
      %dma_wait3A_246 = tpu.memref_squeeze %dma_wait3A_245 : memref<1x!tpu.dma_semaphore, #tpu.memory_space<semaphore_mem>> -> memref<!tpu.dma_semaphore, #tpu.memory_space<semaphore_mem>>
      tpu.wait_indirect_dma semaphore(%dma_wait3A_246 : memref<!tpu.dma_semaphore, #tpu.memory_space<semaphore_mem>>) src(%dma_wait3A_244 : memref<1000x64xf32, #tpu.memory_space<vmem_shared>>) dst(%dma_wait3A_238 : memref<128x64xf32, #tpu.memory_space<vmem>>)
      %mul3A_247 = arith.constant 128 : i32
      %mul3A_248 = arith.muli %add3A_222, %mul3A_247 : i32
      %add3A_249 = arith.addi %mul3A_2, %mul3A_248 : i32
      %dma_start3A_250 = arith.constant 1 : i32
      %dma_start3A_251 = arith.constant 1 : i32
      %dma_start3A_252 = arith.constant 0 : i32
      %dma_start3A_253 = arith.constant 0 : i32
      %dma_start3A_254 = tpu.memref_slice %arg7[%dma_start3A_250, %dma_start3A_252, %dma_start3A_253] : memref<10x128x64xf32, #tpu.memory_space<vmem>> -> memref<1x128x64xf32, #tpu.memory_space<vmem>>
      %dma_start3A_255 = tpu.memref_squeeze %dma_start3A_254 : memref<1x128x64xf32, #tpu.memory_space<vmem>> -> memref<128x64xf32, #tpu.memory_space<vmem>>
      %dma_start3A_256 = arith.constant 0 : i32
      %dma_start3A_257 = tpu.memref_slice %arg4[%add3A_249, %dma_start3A_256] : memref<204800x64xf32, #tpu.memory_space<hbm>> -> memref<128x64xf32, #tpu.memory_space<hbm>>
      %dma_start3A_258 = tpu.memref_slice %arg9[%dma_start3A_251] : memref<10x!tpu.dma_semaphore, #tpu.memory_space<semaphore_mem>> -> memref<1x!tpu.dma_semaphore, #tpu.memory_space<semaphore_mem>>
      %dma_start3A_259 = tpu.memref_squeeze %dma_start3A_258 : memref<1x!tpu.dma_semaphore, #tpu.memory_space<semaphore_mem>> -> memref<!tpu.dma_semaphore, #tpu.memory_space<semaphore_mem>>
      %dma_start3A_260 = arith.constant 0 : i32
      %dma_start3A_261 = tpu.memref_slice %arg4[%add3A_249, %dma_start3A_260] : memref<204800x64xf32, #tpu.memory_space<hbm>> -> memref<128x64xf32, #tpu.memory_space<hbm>>
      %dma_start3A_262 = arith.constant 0 : i32
      %dma_start3A_263 = arith.constant 0 : i32
      %dma_start3A_264 = tpu.memref_slice %arg7[%dma_start3A_250, %dma_start3A_262, %dma_start3A_263] : memref<10x128x64xf32, #tpu.memory_space<vmem>> -> memref<1x128x64xf32, #tpu.memory_space<vmem>>
      %dma_start3A_265 = tpu.memref_squeeze %dma_start3A_264 : memref<1x128x64xf32, #tpu.memory_space<vmem>> -> memref<128x64xf32, #tpu.memory_space<vmem>>
      tpu.enqueue_dma source(%dma_start3A_265 : memref<128x64xf32, #tpu.memory_space<vmem>>) target(%dma_start3A_261 : memref<128x64xf32, #tpu.memory_space<hbm>>) target_semaphore(%dma_start3A_259 : memref<!tpu.dma_semaphore, #tpu.memory_space<semaphore_mem>>)
      %add3A_266 = arith.constant 2 : i32
      %add3A_267 = arith.addi %add3A_176, %add3A_266 : i32
      %gt3A_268 = arith.constant 0 : i32
      %gt3A_269 = arith.cmpi sgt, %add3A_176, %gt3A_268 : i32
      %convert_element_type3A_270 = arith.extui %gt3A_269 : i1 to i32
      %cond3A_271 = arith.constant 0 : i32
      %cond3A_272 = arith.cmpi ne, %convert_element_type3A_270, %cond3A_271 : i32
      scf.if %cond3A_272 {
        %sub3A = arith.constant 5 : i32
        %sub3A_625 = arith.subi %add3A_267, %sub3A : i32
        %mul3A_626 = arith.constant 128 : i32
        %mul3A_627 = arith.muli %sub3A_625, %mul3A_626 : i32
        %add3A_628 = arith.addi %mul3A_2, %mul3A_627 : i32
        %dma_wait3A_629 = arith.constant 7 : i32
        %dma_wait3A_630 = arith.constant 7 : i32
        %dma_wait3A_631 = arith.constant 0 : i32
        %dma_wait3A_632 = arith.constant 0 : i32
        %dma_wait3A_633 = tpu.memref_slice %arg7[%dma_wait3A_629, %dma_wait3A_631, %dma_wait3A_632] : memref<10x128x64xf32, #tpu.memory_space<vmem>> -> memref<1x128x64xf32, #tpu.memory_space<vmem>>
        %dma_wait3A_634 = tpu.memref_squeeze %dma_wait3A_633 : memref<1x128x64xf32, #tpu.memory_space<vmem>> -> memref<128x64xf32, #tpu.memory_space<vmem>>
        %dma_wait3A_635 = arith.constant 0 : i32
        %dma_wait3A_636 = tpu.memref_slice %arg4[%add3A_628, %dma_wait3A_635] : memref<204800x64xf32, #tpu.memory_space<hbm>> -> memref<128x64xf32, #tpu.memory_space<hbm>>
        %dma_wait3A_637 = tpu.memref_slice %arg9[%dma_wait3A_630] : memref<10x!tpu.dma_semaphore, #tpu.memory_space<semaphore_mem>> -> memref<1x!tpu.dma_semaphore, #tpu.memory_space<semaphore_mem>>
        %dma_wait3A_638 = tpu.memref_squeeze %dma_wait3A_637 : memref<1x!tpu.dma_semaphore, #tpu.memory_space<semaphore_mem>> -> memref<!tpu.dma_semaphore, #tpu.memory_space<semaphore_mem>>
        %dma_wait3A_639 = arith.constant 0 : i32
        %dma_wait3A_640 = tpu.memref_slice %arg4[%add3A_628, %dma_wait3A_639] : memref<204800x64xf32, #tpu.memory_space<hbm>> -> memref<128x64xf32, #tpu.memory_space<hbm>>
        %dma_wait3A_641 = arith.constant 0 : i32
        %dma_wait3A_642 = arith.constant 0 : i32
        %dma_wait3A_643 = tpu.memref_slice %arg7[%dma_wait3A_629, %dma_wait3A_641, %dma_wait3A_642] : memref<10x128x64xf32, #tpu.memory_space<vmem>> -> memref<1x128x64xf32, #tpu.memory_space<vmem>>
        %dma_wait3A_644 = tpu.memref_squeeze %dma_wait3A_643 : memref<1x128x64xf32, #tpu.memory_space<vmem>> -> memref<128x64xf32, #tpu.memory_space<vmem>>
        tpu.wait_dma2 semaphore(%dma_wait3A_638 : memref<!tpu.dma_semaphore, #tpu.memory_space<semaphore_mem>>) src(%dma_wait3A_644 : memref<128x64xf32, #tpu.memory_space<vmem>>) dst(%dma_wait3A_640 : memref<128x64xf32, #tpu.memory_space<hbm>>)
        %add3A_645 = arith.constant 5 : i32
        %add3A_646 = arith.addi %add3A_267, %add3A_645 : i32
        %dma_start3A_647 = arith.constant 7 : i32
        %dma_start3A_648 = arith.constant 7 : i32
        %dma_start3A_649 = arith.constant 0 : i32
        %dma_start3A_650 = arith.constant 0 : i32
        %dma_start3A_651 = tpu.memref_slice %arg7[%dma_start3A_647, %dma_start3A_649, %dma_start3A_650] : memref<10x128x64xf32, #tpu.memory_space<vmem>> -> memref<1x128x64xf32, #tpu.memory_space<vmem>>
        %dma_start3A_652 = tpu.memref_squeeze %dma_start3A_651 : memref<1x128x64xf32, #tpu.memory_space<vmem>> -> memref<128x64xf32, #tpu.memory_space<vmem>>
        %dma_start3A_653 = arith.constant 0 : i32
        %dma_start3A_654 = tpu.memref_slice %arg5[%add3A_646, %dma_start3A_653] : memref<50x128xi32, #tpu.memory_space<vmem>> -> memref<1x128xi32, #tpu.memory_space<vmem>>
        %dma_start3A_655 = tpu.memref_squeeze %dma_start3A_654 : memref<1x128xi32, #tpu.memory_space<vmem>> -> memref<128xi32, #tpu.memory_space<vmem>>
        %dma_start3A_656 = arith.constant 0 : i32
        %dma_start3A_657 = arith.constant 0 : i32
        %dma_start3A_658 = tpu.memref_slice %arg6[%dma_start3A_656, %dma_start3A_657] : memref<1000x64xf32, #tpu.memory_space<vmem_shared>> -> memref<1000x64xf32, #tpu.memory_space<vmem_shared>>
        %dma_start3A_659 = tpu.memref_slice %arg8[%dma_start3A_648] : memref<10x!tpu.dma_semaphore, #tpu.memory_space<semaphore_mem>> -> memref<1x!tpu.dma_semaphore, #tpu.memory_space<semaphore_mem>>
        %dma_start3A_660 = tpu.memref_squeeze %dma_start3A_659 : memref<1x!tpu.dma_semaphore, #tpu.memory_space<semaphore_mem>> -> memref<!tpu.dma_semaphore, #tpu.memory_space<semaphore_mem>>
        tpu.enqueue_indirect_dma source(%dma_start3A_658 : memref<1000x64xf32, #tpu.memory_space<vmem_shared>>) target(%dma_start3A_652 : memref<128x64xf32, #tpu.memory_space<vmem>>) offsets(%dma_start3A_655 : memref<128xi32, #tpu.memory_space<vmem>>) semaphore(%dma_start3A_660 : memref<!tpu.dma_semaphore, #tpu.memory_space<semaphore_mem>>)
      } else {
      }
      %eq3A_273 = arith.constant 0 : i32
      %eq3A_274 = arith.cmpi eq, %add3A_176, %eq3A_273 : i32
      %convert_element_type3A_275 = arith.extui %eq3A_274 : i1 to i32
      %cond3A_276 = arith.constant 0 : i32
      %cond3A_277 = arith.cmpi ne, %convert_element_type3A_275, %cond3A_276 : i32
      scf.if %cond3A_277 {
        %add3A_625 = arith.constant 5 : i32
        %add3A_626 = arith.addi %add3A_267, %add3A_625 : i32
        %dma_start3A_627 = arith.constant 7 : i32
        %dma_start3A_628 = arith.constant 7 : i32
        %dma_start3A_629 = arith.constant 0 : i32
        %dma_start3A_630 = arith.constant 0 : i32
        %dma_start3A_631 = tpu.memref_slice %arg7[%dma_start3A_627, %dma_start3A_629, %dma_start3A_630] : memref<10x128x64xf32, #tpu.memory_space<vmem>> -> memref<1x128x64xf32, #tpu.memory_space<vmem>>
        %dma_start3A_632 = tpu.memref_squeeze %dma_start3A_631 : memref<1x128x64xf32, #tpu.memory_space<vmem>> -> memref<128x64xf32, #tpu.memory_space<vmem>>
        %dma_start3A_633 = arith.constant 0 : i32
        %dma_start3A_634 = tpu.memref_slice %arg5[%add3A_626, %dma_start3A_633] : memref<50x128xi32, #tpu.memory_space<vmem>> -> memref<1x128xi32, #tpu.memory_space<vmem>>
        %dma_start3A_635 = tpu.memref_squeeze %dma_start3A_634 : memref<1x128xi32, #tpu.memory_space<vmem>> -> memref<128xi32, #tpu.memory_space<vmem>>
        %dma_start3A_636 = arith.constant 0 : i32
        %dma_start3A_637 = arith.constant 0 : i32
        %dma_start3A_638 = tpu.memref_slice %arg6[%dma_start3A_636, %dma_start3A_637] : memref<1000x64xf32, #tpu.memory_space<vmem_shared>> -> memref<1000x64xf32, #tpu.memory_space<vmem_shared>>
        %dma_start3A_639 = tpu.memref_slice %arg8[%dma_start3A_628] : memref<10x!tpu.dma_semaphore, #tpu.memory_space<semaphore_mem>> -> memref<1x!tpu.dma_semaphore, #tpu.memory_space<semaphore_mem>>
        %dma_start3A_640 = tpu.memref_squeeze %dma_start3A_639 : memref<1x!tpu.dma_semaphore, #tpu.memory_space<semaphore_mem>> -> memref<!tpu.dma_semaphore, #tpu.memory_space<semaphore_mem>>
        tpu.enqueue_indirect_dma source(%dma_start3A_638 : memref<1000x64xf32, #tpu.memory_space<vmem_shared>>) target(%dma_start3A_632 : memref<128x64xf32, #tpu.memory_space<vmem>>) offsets(%dma_start3A_635 : memref<128xi32, #tpu.memory_space<vmem>>) semaphore(%dma_start3A_640 : memref<!tpu.dma_semaphore, #tpu.memory_space<semaphore_mem>>)
      } else {
      }
      %dma_wait3A_278 = arith.constant 2 : i32
      %dma_wait3A_279 = arith.constant 2 : i32
      %dma_wait3A_280 = arith.constant 0 : i32
      %dma_wait3A_281 = arith.constant 0 : i32
      %dma_wait3A_282 = tpu.memref_slice %arg7[%dma_wait3A_278, %dma_wait3A_280, %dma_wait3A_281] : memref<10x128x64xf32, #tpu.memory_space<vmem>> -> memref<1x128x64xf32, #tpu.memory_space<vmem>>
      %dma_wait3A_283 = tpu.memref_squeeze %dma_wait3A_282 : memref<1x128x64xf32, #tpu.memory_space<vmem>> -> memref<128x64xf32, #tpu.memory_space<vmem>>
      %dma_wait3A_284 = arith.constant 0 : i32
      %dma_wait3A_285 = tpu.memref_slice %arg5[%add3A_267, %dma_wait3A_284] : memref<50x128xi32, #tpu.memory_space<vmem>> -> memref<1x128xi32, #tpu.memory_space<vmem>>
      %dma_wait3A_286 = tpu.memref_squeeze %dma_wait3A_285 : memref<1x128xi32, #tpu.memory_space<vmem>> -> memref<128xi32, #tpu.memory_space<vmem>>
      %dma_wait3A_287 = arith.constant 0 : i32
      %dma_wait3A_288 = arith.constant 0 : i32
      %dma_wait3A_289 = tpu.memref_slice %arg6[%dma_wait3A_287, %dma_wait3A_288] : memref<1000x64xf32, #tpu.memory_space<vmem_shared>> -> memref<1000x64xf32, #tpu.memory_space<vmem_shared>>
      %dma_wait3A_290 = tpu.memref_slice %arg8[%dma_wait3A_279] : memref<10x!tpu.dma_semaphore, #tpu.memory_space<semaphore_mem>> -> memref<1x!tpu.dma_semaphore, #tpu.memory_space<semaphore_mem>>
      %dma_wait3A_291 = tpu.memref_squeeze %dma_wait3A_290 : memref<1x!tpu.dma_semaphore, #tpu.memory_space<semaphore_mem>> -> memref<!tpu.dma_semaphore, #tpu.memory_space<semaphore_mem>>
      tpu.wait_indirect_dma semaphore(%dma_wait3A_291 : memref<!tpu.dma_semaphore, #tpu.memory_space<semaphore_mem>>) src(%dma_wait3A_289 : memref<1000x64xf32, #tpu.memory_space<vmem_shared>>) dst(%dma_wait3A_283 : memref<128x64xf32, #tpu.memory_space<vmem>>)
      %mul3A_292 = arith.constant 128 : i32
      %mul3A_293 = arith.muli %add3A_267, %mul3A_292 : i32
      %add3A_294 = arith.addi %mul3A_2, %mul3A_293 : i32
      %dma_start3A_295 = arith.constant 2 : i32
      %dma_start3A_296 = arith.constant 2 : i32
      %dma_start3A_297 = arith.constant 0 : i32
      %dma_start3A_298 = arith.constant 0 : i32
      %dma_start3A_299 = tpu.memref_slice %arg7[%dma_start3A_295, %dma_start3A_297, %dma_start3A_298] : memref<10x128x64xf32, #tpu.memory_space<vmem>> -> memref<1x128x64xf32, #tpu.memory_space<vmem>>
      %dma_start3A_300 = tpu.memref_squeeze %dma_start3A_299 : memref<1x128x64xf32, #tpu.memory_space<vmem>> -> memref<128x64xf32, #tpu.memory_space<vmem>>
      %dma_start3A_301 = arith.constant 0 : i32
      %dma_start3A_302 = tpu.memref_slice %arg4[%add3A_294, %dma_start3A_301] : memref<204800x64xf32, #tpu.memory_space<hbm>> -> memref<128x64xf32, #tpu.memory_space<hbm>>
      %dma_start3A_303 = tpu.memref_slice %arg9[%dma_start3A_296] : memref<10x!tpu.dma_semaphore, #tpu.memory_space<semaphore_mem>> -> memref<1x!tpu.dma_semaphore, #tpu.memory_space<semaphore_mem>>
      %dma_start3A_304 = tpu.memref_squeeze %dma_start3A_303 : memref<1x!tpu.dma_semaphore, #tpu.memory_space<semaphore_mem>> -> memref<!tpu.dma_semaphore, #tpu.memory_space<semaphore_mem>>
      %dma_start3A_305 = arith.constant 0 : i32
      %dma_start3A_306 = tpu.memref_slice %arg4[%add3A_294, %dma_start3A_305] : memref<204800x64xf32, #tpu.memory_space<hbm>> -> memref<128x64xf32, #tpu.memory_space<hbm>>
      %dma_start3A_307 = arith.constant 0 : i32
      %dma_start3A_308 = arith.constant 0 : i32
      %dma_start3A_309 = tpu.memref_slice %arg7[%dma_start3A_295, %dma_start3A_307, %dma_start3A_308] : memref<10x128x64xf32, #tpu.memory_space<vmem>> -> memref<1x128x64xf32, #tpu.memory_space<vmem>>
      %dma_start3A_310 = tpu.memref_squeeze %dma_start3A_309 : memref<1x128x64xf32, #tpu.memory_space<vmem>> -> memref<128x64xf32, #tpu.memory_space<vmem>>
      tpu.enqueue_dma source(%dma_start3A_310 : memref<128x64xf32, #tpu.memory_space<vmem>>) target(%dma_start3A_306 : memref<128x64xf32, #tpu.memory_space<hbm>>) target_semaphore(%dma_start3A_304 : memref<!tpu.dma_semaphore, #tpu.memory_space<semaphore_mem>>)
      %add3A_311 = arith.constant 3 : i32
      %add3A_312 = arith.addi %add3A_176, %add3A_311 : i32
      %gt3A_313 = arith.constant 0 : i32
      %gt3A_314 = arith.cmpi sgt, %add3A_176, %gt3A_313 : i32
      %convert_element_type3A_315 = arith.extui %gt3A_314 : i1 to i32
      %cond3A_316 = arith.constant 0 : i32
      %cond3A_317 = arith.cmpi ne, %convert_element_type3A_315, %cond3A_316 : i32
      scf.if %cond3A_317 {
        %sub3A = arith.constant 5 : i32
        %sub3A_625 = arith.subi %add3A_312, %sub3A : i32
        %mul3A_626 = arith.constant 128 : i32
        %mul3A_627 = arith.muli %sub3A_625, %mul3A_626 : i32
        %add3A_628 = arith.addi %mul3A_2, %mul3A_627 : i32
        %dma_wait3A_629 = arith.constant 8 : i32
        %dma_wait3A_630 = arith.constant 8 : i32
        %dma_wait3A_631 = arith.constant 0 : i32
        %dma_wait3A_632 = arith.constant 0 : i32
        %dma_wait3A_633 = tpu.memref_slice %arg7[%dma_wait3A_629, %dma_wait3A_631, %dma_wait3A_632] : memref<10x128x64xf32, #tpu.memory_space<vmem>> -> memref<1x128x64xf32, #tpu.memory_space<vmem>>
        %dma_wait3A_634 = tpu.memref_squeeze %dma_wait3A_633 : memref<1x128x64xf32, #tpu.memory_space<vmem>> -> memref<128x64xf32, #tpu.memory_space<vmem>>
        %dma_wait3A_635 = arith.constant 0 : i32
        %dma_wait3A_636 = tpu.memref_slice %arg4[%add3A_628, %dma_wait3A_635] : memref<204800x64xf32, #tpu.memory_space<hbm>> -> memref<128x64xf32, #tpu.memory_space<hbm>>
        %dma_wait3A_637 = tpu.memref_slice %arg9[%dma_wait3A_630] : memref<10x!tpu.dma_semaphore, #tpu.memory_space<semaphore_mem>> -> memref<1x!tpu.dma_semaphore, #tpu.memory_space<semaphore_mem>>
        %dma_wait3A_638 = tpu.memref_squeeze %dma_wait3A_637 : memref<1x!tpu.dma_semaphore, #tpu.memory_space<semaphore_mem>> -> memref<!tpu.dma_semaphore, #tpu.memory_space<semaphore_mem>>
        %dma_wait3A_639 = arith.constant 0 : i32
        %dma_wait3A_640 = tpu.memref_slice %arg4[%add3A_628, %dma_wait3A_639] : memref<204800x64xf32, #tpu.memory_space<hbm>> -> memref<128x64xf32, #tpu.memory_space<hbm>>
        %dma_wait3A_641 = arith.constant 0 : i32
        %dma_wait3A_642 = arith.constant 0 : i32
        %dma_wait3A_643 = tpu.memref_slice %arg7[%dma_wait3A_629, %dma_wait3A_641, %dma_wait3A_642] : memref<10x128x64xf32, #tpu.memory_space<vmem>> -> memref<1x128x64xf32, #tpu.memory_space<vmem>>
        %dma_wait3A_644 = tpu.memref_squeeze %dma_wait3A_643 : memref<1x128x64xf32, #tpu.memory_space<vmem>> -> memref<128x64xf32, #tpu.memory_space<vmem>>
        tpu.wait_dma2 semaphore(%dma_wait3A_638 : memref<!tpu.dma_semaphore, #tpu.memory_space<semaphore_mem>>) src(%dma_wait3A_644 : memref<128x64xf32, #tpu.memory_space<vmem>>) dst(%dma_wait3A_640 : memref<128x64xf32, #tpu.memory_space<hbm>>)
        %add3A_645 = arith.constant 5 : i32
        %add3A_646 = arith.addi %add3A_312, %add3A_645 : i32
        %dma_start3A_647 = arith.constant 8 : i32
        %dma_start3A_648 = arith.constant 8 : i32
        %dma_start3A_649 = arith.constant 0 : i32
        %dma_start3A_650 = arith.constant 0 : i32
        %dma_start3A_651 = tpu.memref_slice %arg7[%dma_start3A_647, %dma_start3A_649, %dma_start3A_650] : memref<10x128x64xf32, #tpu.memory_space<vmem>> -> memref<1x128x64xf32, #tpu.memory_space<vmem>>
        %dma_start3A_652 = tpu.memref_squeeze %dma_start3A_651 : memref<1x128x64xf32, #tpu.memory_space<vmem>> -> memref<128x64xf32, #tpu.memory_space<vmem>>
        %dma_start3A_653 = arith.constant 0 : i32
        %dma_start3A_654 = tpu.memref_slice %arg5[%add3A_646, %dma_start3A_653] : memref<50x128xi32, #tpu.memory_space<vmem>> -> memref<1x128xi32, #tpu.memory_space<vmem>>
        %dma_start3A_655 = tpu.memref_squeeze %dma_start3A_654 : memref<1x128xi32, #tpu.memory_space<vmem>> -> memref<128xi32, #tpu.memory_space<vmem>>
        %dma_start3A_656 = arith.constant 0 : i32
        %dma_start3A_657 = arith.constant 0 : i32
        %dma_start3A_658 = tpu.memref_slice %arg6[%dma_start3A_656, %dma_start3A_657] : memref<1000x64xf32, #tpu.memory_space<vmem_shared>> -> memref<1000x64xf32, #tpu.memory_space<vmem_shared>>
        %dma_start3A_659 = tpu.memref_slice %arg8[%dma_start3A_648] : memref<10x!tpu.dma_semaphore, #tpu.memory_space<semaphore_mem>> -> memref<1x!tpu.dma_semaphore, #tpu.memory_space<semaphore_mem>>
        %dma_start3A_660 = tpu.memref_squeeze %dma_start3A_659 : memref<1x!tpu.dma_semaphore, #tpu.memory_space<semaphore_mem>> -> memref<!tpu.dma_semaphore, #tpu.memory_space<semaphore_mem>>
        tpu.enqueue_indirect_dma source(%dma_start3A_658 : memref<1000x64xf32, #tpu.memory_space<vmem_shared>>) target(%dma_start3A_652 : memref<128x64xf32, #tpu.memory_space<vmem>>) offsets(%dma_start3A_655 : memref<128xi32, #tpu.memory_space<vmem>>) semaphore(%dma_start3A_660 : memref<!tpu.dma_semaphore, #tpu.memory_space<semaphore_mem>>)
      } else {
      }
      %eq3A_318 = arith.constant 0 : i32
      %eq3A_319 = arith.cmpi eq, %add3A_176, %eq3A_318 : i32
      %convert_element_type3A_320 = arith.extui %eq3A_319 : i1 to i32
      %cond3A_321 = arith.constant 0 : i32
      %cond3A_322 = arith.cmpi ne, %convert_element_type3A_320, %cond3A_321 : i32
      scf.if %cond3A_322 {
        %add3A_625 = arith.constant 5 : i32
        %add3A_626 = arith.addi %add3A_312, %add3A_625 : i32
        %dma_start3A_627 = arith.constant 8 : i32
        %dma_start3A_628 = arith.constant 8 : i32
        %dma_start3A_629 = arith.constant 0 : i32
        %dma_start3A_630 = arith.constant 0 : i32
        %dma_start3A_631 = tpu.memref_slice %arg7[%dma_start3A_627, %dma_start3A_629, %dma_start3A_630] : memref<10x128x64xf32, #tpu.memory_space<vmem>> -> memref<1x128x64xf32, #tpu.memory_space<vmem>>
        %dma_start3A_632 = tpu.memref_squeeze %dma_start3A_631 : memref<1x128x64xf32, #tpu.memory_space<vmem>> -> memref<128x64xf32, #tpu.memory_space<vmem>>
        %dma_start3A_633 = arith.constant 0 : i32
        %dma_start3A_634 = tpu.memref_slice %arg5[%add3A_626, %dma_start3A_633] : memref<50x128xi32, #tpu.memory_space<vmem>> -> memref<1x128xi32, #tpu.memory_space<vmem>>
        %dma_start3A_635 = tpu.memref_squeeze %dma_start3A_634 : memref<1x128xi32, #tpu.memory_space<vmem>> -> memref<128xi32, #tpu.memory_space<vmem>>
        %dma_start3A_636 = arith.constant 0 : i32
        %dma_start3A_637 = arith.constant 0 : i32
        %dma_start3A_638 = tpu.memref_slice %arg6[%dma_start3A_636, %dma_start3A_637] : memref<1000x64xf32, #tpu.memory_space<vmem_shared>> -> memref<1000x64xf32, #tpu.memory_space<vmem_shared>>
        %dma_start3A_639 = tpu.memref_slice %arg8[%dma_start3A_628] : memref<10x!tpu.dma_semaphore, #tpu.memory_space<semaphore_mem>> -> memref<1x!tpu.dma_semaphore, #tpu.memory_space<semaphore_mem>>
        %dma_start3A_640 = tpu.memref_squeeze %dma_start3A_639 : memref<1x!tpu.dma_semaphore, #tpu.memory_space<semaphore_mem>> -> memref<!tpu.dma_semaphore, #tpu.memory_space<semaphore_mem>>
        tpu.enqueue_indirect_dma source(%dma_start3A_638 : memref<1000x64xf32, #tpu.memory_space<vmem_shared>>) target(%dma_start3A_632 : memref<128x64xf32, #tpu.memory_space<vmem>>) offsets(%dma_start3A_635 : memref<128xi32, #tpu.memory_space<vmem>>) semaphore(%dma_start3A_640 : memref<!tpu.dma_semaphore, #tpu.memory_space<semaphore_mem>>)
      } else {
      }
      %dma_wait3A_323 = arith.constant 3 : i32
      %dma_wait3A_324 = arith.constant 3 : i32
      %dma_wait3A_325 = arith.constant 0 : i32
      %dma_wait3A_326 = arith.constant 0 : i32
      %dma_wait3A_327 = tpu.memref_slice %arg7[%dma_wait3A_323, %dma_wait3A_325, %dma_wait3A_326] : memref<10x128x64xf32, #tpu.memory_space<vmem>> -> memref<1x128x64xf32, #tpu.memory_space<vmem>>
      %dma_wait3A_328 = tpu.memref_squeeze %dma_wait3A_327 : memref<1x128x64xf32, #tpu.memory_space<vmem>> -> memref<128x64xf32, #tpu.memory_space<vmem>>
      %dma_wait3A_329 = arith.constant 0 : i32
      %dma_wait3A_330 = tpu.memref_slice %arg5[%add3A_312, %dma_wait3A_329] : memref<50x128xi32, #tpu.memory_space<vmem>> -> memref<1x128xi32, #tpu.memory_space<vmem>>
      %dma_wait3A_331 = tpu.memref_squeeze %dma_wait3A_330 : memref<1x128xi32, #tpu.memory_space<vmem>> -> memref<128xi32, #tpu.memory_space<vmem>>
      %dma_wait3A_332 = arith.constant 0 : i32
      %dma_wait3A_333 = arith.constant 0 : i32
      %dma_wait3A_334 = tpu.memref_slice %arg6[%dma_wait3A_332, %dma_wait3A_333] : memref<1000x64xf32, #tpu.memory_space<vmem_shared>> -> memref<1000x64xf32, #tpu.memory_space<vmem_shared>>
      %dma_wait3A_335 = tpu.memref_slice %arg8[%dma_wait3A_324] : memref<10x!tpu.dma_semaphore, #tpu.memory_space<semaphore_mem>> -> memref<1x!tpu.dma_semaphore, #tpu.memory_space<semaphore_mem>>
      %dma_wait3A_336 = tpu.memref_squeeze %dma_wait3A_335 : memref<1x!tpu.dma_semaphore, #tpu.memory_space<semaphore_mem>> -> memref<!tpu.dma_semaphore, #tpu.memory_space<semaphore_mem>>
      tpu.wait_indirect_dma semaphore(%dma_wait3A_336 : memref<!tpu.dma_semaphore, #tpu.memory_space<semaphore_mem>>) src(%dma_wait3A_334 : memref<1000x64xf32, #tpu.memory_space<vmem_shared>>) dst(%dma_wait3A_328 : memref<128x64xf32, #tpu.memory_space<vmem>>)
      %mul3A_337 = arith.constant 128 : i32
      %mul3A_338 = arith.muli %add3A_312, %mul3A_337 : i32
      %add3A_339 = arith.addi %mul3A_2, %mul3A_338 : i32
      %dma_start3A_340 = arith.constant 3 : i32
      %dma_start3A_341 = arith.constant 3 : i32
      %dma_start3A_342 = arith.constant 0 : i32
      %dma_start3A_343 = arith.constant 0 : i32
      %dma_start3A_344 = tpu.memref_slice %arg7[%dma_start3A_340, %dma_start3A_342, %dma_start3A_343] : memref<10x128x64xf32, #tpu.memory_space<vmem>> -> memref<1x128x64xf32, #tpu.memory_space<vmem>>
      %dma_start3A_345 = tpu.memref_squeeze %dma_start3A_344 : memref<1x128x64xf32, #tpu.memory_space<vmem>> -> memref<128x64xf32, #tpu.memory_space<vmem>>
      %dma_start3A_346 = arith.constant 0 : i32
      %dma_start3A_347 = tpu.memref_slice %arg4[%add3A_339, %dma_start3A_346] : memref<204800x64xf32, #tpu.memory_space<hbm>> -> memref<128x64xf32, #tpu.memory_space<hbm>>
      %dma_start3A_348 = tpu.memref_slice %arg9[%dma_start3A_341] : memref<10x!tpu.dma_semaphore, #tpu.memory_space<semaphore_mem>> -> memref<1x!tpu.dma_semaphore, #tpu.memory_space<semaphore_mem>>
      %dma_start3A_349 = tpu.memref_squeeze %dma_start3A_348 : memref<1x!tpu.dma_semaphore, #tpu.memory_space<semaphore_mem>> -> memref<!tpu.dma_semaphore, #tpu.memory_space<semaphore_mem>>
      %dma_start3A_350 = arith.constant 0 : i32
      %dma_start3A_351 = tpu.memref_slice %arg4[%add3A_339, %dma_start3A_350] : memref<204800x64xf32, #tpu.memory_space<hbm>> -> memref<128x64xf32, #tpu.memory_space<hbm>>
      %dma_start3A_352 = arith.constant 0 : i32
      %dma_start3A_353 = arith.constant 0 : i32
      %dma_start3A_354 = tpu.memref_slice %arg7[%dma_start3A_340, %dma_start3A_352, %dma_start3A_353] : memref<10x128x64xf32, #tpu.memory_space<vmem>> -> memref<1x128x64xf32, #tpu.memory_space<vmem>>
      %dma_start3A_355 = tpu.memref_squeeze %dma_start3A_354 : memref<1x128x64xf32, #tpu.memory_space<vmem>> -> memref<128x64xf32, #tpu.memory_space<vmem>>
      tpu.enqueue_dma source(%dma_start3A_355 : memref<128x64xf32, #tpu.memory_space<vmem>>) target(%dma_start3A_351 : memref<128x64xf32, #tpu.memory_space<hbm>>) target_semaphore(%dma_start3A_349 : memref<!tpu.dma_semaphore, #tpu.memory_space<semaphore_mem>>)
      %add3A_356 = arith.constant 4 : i32
      %add3A_357 = arith.addi %add3A_176, %add3A_356 : i32
      %gt3A_358 = arith.constant 0 : i32
      %gt3A_359 = arith.cmpi sgt, %add3A_176, %gt3A_358 : i32
      %convert_element_type3A_360 = arith.extui %gt3A_359 : i1 to i32
      %cond3A_361 = arith.constant 0 : i32
      %cond3A_362 = arith.cmpi ne, %convert_element_type3A_360, %cond3A_361 : i32
      scf.if %cond3A_362 {
        %sub3A = arith.constant 5 : i32
        %sub3A_625 = arith.subi %add3A_357, %sub3A : i32
        %mul3A_626 = arith.constant 128 : i32
        %mul3A_627 = arith.muli %sub3A_625, %mul3A_626 : i32
        %add3A_628 = arith.addi %mul3A_2, %mul3A_627 : i32
        %dma_wait3A_629 = arith.constant 9 : i32
        %dma_wait3A_630 = arith.constant 9 : i32
        %dma_wait3A_631 = arith.constant 0 : i32
        %dma_wait3A_632 = arith.constant 0 : i32
        %dma_wait3A_633 = tpu.memref_slice %arg7[%dma_wait3A_629, %dma_wait3A_631, %dma_wait3A_632] : memref<10x128x64xf32, #tpu.memory_space<vmem>> -> memref<1x128x64xf32, #tpu.memory_space<vmem>>
        %dma_wait3A_634 = tpu.memref_squeeze %dma_wait3A_633 : memref<1x128x64xf32, #tpu.memory_space<vmem>> -> memref<128x64xf32, #tpu.memory_space<vmem>>
        %dma_wait3A_635 = arith.constant 0 : i32
        %dma_wait3A_636 = tpu.memref_slice %arg4[%add3A_628, %dma_wait3A_635] : memref<204800x64xf32, #tpu.memory_space<hbm>> -> memref<128x64xf32, #tpu.memory_space<hbm>>
        %dma_wait3A_637 = tpu.memref_slice %arg9[%dma_wait3A_630] : memref<10x!tpu.dma_semaphore, #tpu.memory_space<semaphore_mem>> -> memref<1x!tpu.dma_semaphore, #tpu.memory_space<semaphore_mem>>
        %dma_wait3A_638 = tpu.memref_squeeze %dma_wait3A_637 : memref<1x!tpu.dma_semaphore, #tpu.memory_space<semaphore_mem>> -> memref<!tpu.dma_semaphore, #tpu.memory_space<semaphore_mem>>
        %dma_wait3A_639 = arith.constant 0 : i32
        %dma_wait3A_640 = tpu.memref_slice %arg4[%add3A_628, %dma_wait3A_639] : memref<204800x64xf32, #tpu.memory_space<hbm>> -> memref<128x64xf32, #tpu.memory_space<hbm>>
        %dma_wait3A_641 = arith.constant 0 : i32
        %dma_wait3A_642 = arith.constant 0 : i32
        %dma_wait3A_643 = tpu.memref_slice %arg7[%dma_wait3A_629, %dma_wait3A_641, %dma_wait3A_642] : memref<10x128x64xf32, #tpu.memory_space<vmem>> -> memref<1x128x64xf32, #tpu.memory_space<vmem>>
        %dma_wait3A_644 = tpu.memref_squeeze %dma_wait3A_643 : memref<1x128x64xf32, #tpu.memory_space<vmem>> -> memref<128x64xf32, #tpu.memory_space<vmem>>
        tpu.wait_dma2 semaphore(%dma_wait3A_638 : memref<!tpu.dma_semaphore, #tpu.memory_space<semaphore_mem>>) src(%dma_wait3A_644 : memref<128x64xf32, #tpu.memory_space<vmem>>) dst(%dma_wait3A_640 : memref<128x64xf32, #tpu.memory_space<hbm>>)
        %add3A_645 = arith.constant 5 : i32
        %add3A_646 = arith.addi %add3A_357, %add3A_645 : i32
        %dma_start3A_647 = arith.constant 9 : i32
        %dma_start3A_648 = arith.constant 9 : i32
        %dma_start3A_649 = arith.constant 0 : i32
        %dma_start3A_650 = arith.constant 0 : i32
        %dma_start3A_651 = tpu.memref_slice %arg7[%dma_start3A_647, %dma_start3A_649, %dma_start3A_650] : memref<10x128x64xf32, #tpu.memory_space<vmem>> -> memref<1x128x64xf32, #tpu.memory_space<vmem>>
        %dma_start3A_652 = tpu.memref_squeeze %dma_start3A_651 : memref<1x128x64xf32, #tpu.memory_space<vmem>> -> memref<128x64xf32, #tpu.memory_space<vmem>>
        %dma_start3A_653 = arith.constant 0 : i32
        %dma_start3A_654 = tpu.memref_slice %arg5[%add3A_646, %dma_start3A_653] : memref<50x128xi32, #tpu.memory_space<vmem>> -> memref<1x128xi32, #tpu.memory_space<vmem>>
        %dma_start3A_655 = tpu.memref_squeeze %dma_start3A_654 : memref<1x128xi32, #tpu.memory_space<vmem>> -> memref<128xi32, #tpu.memory_space<vmem>>
        %dma_start3A_656 = arith.constant 0 : i32
        %dma_start3A_657 = arith.constant 0 : i32
        %dma_start3A_658 = tpu.memref_slice %arg6[%dma_start3A_656, %dma_start3A_657] : memref<1000x64xf32, #tpu.memory_space<vmem_shared>> -> memref<1000x64xf32, #tpu.memory_space<vmem_shared>>
        %dma_start3A_659 = tpu.memref_slice %arg8[%dma_start3A_648] : memref<10x!tpu.dma_semaphore, #tpu.memory_space<semaphore_mem>> -> memref<1x!tpu.dma_semaphore, #tpu.memory_space<semaphore_mem>>
        %dma_start3A_660 = tpu.memref_squeeze %dma_start3A_659 : memref<1x!tpu.dma_semaphore, #tpu.memory_space<semaphore_mem>> -> memref<!tpu.dma_semaphore, #tpu.memory_space<semaphore_mem>>
        tpu.enqueue_indirect_dma source(%dma_start3A_658 : memref<1000x64xf32, #tpu.memory_space<vmem_shared>>) target(%dma_start3A_652 : memref<128x64xf32, #tpu.memory_space<vmem>>) offsets(%dma_start3A_655 : memref<128xi32, #tpu.memory_space<vmem>>) semaphore(%dma_start3A_660 : memref<!tpu.dma_semaphore, #tpu.memory_space<semaphore_mem>>)
      } else {
      }
      %eq3A_363 = arith.constant 0 : i32
      %eq3A_364 = arith.cmpi eq, %add3A_176, %eq3A_363 : i32
      %convert_element_type3A_365 = arith.extui %eq3A_364 : i1 to i32
      %cond3A_366 = arith.constant 0 : i32
      %cond3A_367 = arith.cmpi ne, %convert_element_type3A_365, %cond3A_366 : i32
      scf.if %cond3A_367 {
        %add3A_625 = arith.constant 5 : i32
        %add3A_626 = arith.addi %add3A_357, %add3A_625 : i32
        %dma_start3A_627 = arith.constant 9 : i32
        %dma_start3A_628 = arith.constant 9 : i32
        %dma_start3A_629 = arith.constant 0 : i32
        %dma_start3A_630 = arith.constant 0 : i32
        %dma_start3A_631 = tpu.memref_slice %arg7[%dma_start3A_627, %dma_start3A_629, %dma_start3A_630] : memref<10x128x64xf32, #tpu.memory_space<vmem>> -> memref<1x128x64xf32, #tpu.memory_space<vmem>>
        %dma_start3A_632 = tpu.memref_squeeze %dma_start3A_631 : memref<1x128x64xf32, #tpu.memory_space<vmem>> -> memref<128x64xf32, #tpu.memory_space<vmem>>
        %dma_start3A_633 = arith.constant 0 : i32
        %dma_start3A_634 = tpu.memref_slice %arg5[%add3A_626, %dma_start3A_633] : memref<50x128xi32, #tpu.memory_space<vmem>> -> memref<1x128xi32, #tpu.memory_space<vmem>>
        %dma_start3A_635 = tpu.memref_squeeze %dma_start3A_634 : memref<1x128xi32, #tpu.memory_space<vmem>> -> memref<128xi32, #tpu.memory_space<vmem>>
        %dma_start3A_636 = arith.constant 0 : i32
        %dma_start3A_637 = arith.constant 0 : i32
        %dma_start3A_638 = tpu.memref_slice %arg6[%dma_start3A_636, %dma_start3A_637] : memref<1000x64xf32, #tpu.memory_space<vmem_shared>> -> memref<1000x64xf32, #tpu.memory_space<vmem_shared>>
        %dma_start3A_639 = tpu.memref_slice %arg8[%dma_start3A_628] : memref<10x!tpu.dma_semaphore, #tpu.memory_space<semaphore_mem>> -> memref<1x!tpu.dma_semaphore, #tpu.memory_space<semaphore_mem>>
        %dma_start3A_640 = tpu.memref_squeeze %dma_start3A_639 : memref<1x!tpu.dma_semaphore, #tpu.memory_space<semaphore_mem>> -> memref<!tpu.dma_semaphore, #tpu.memory_space<semaphore_mem>>
        tpu.enqueue_indirect_dma source(%dma_start3A_638 : memref<1000x64xf32, #tpu.memory_space<vmem_shared>>) target(%dma_start3A_632 : memref<128x64xf32, #tpu.memory_space<vmem>>) offsets(%dma_start3A_635 : memref<128xi32, #tpu.memory_space<vmem>>) semaphore(%dma_start3A_640 : memref<!tpu.dma_semaphore, #tpu.memory_space<semaphore_mem>>)
      } else {
      }
      %dma_wait3A_368 = arith.constant 4 : i32
      %dma_wait3A_369 = arith.constant 4 : i32
      %dma_wait3A_370 = arith.constant 0 : i32
      %dma_wait3A_371 = arith.constant 0 : i32
      %dma_wait3A_372 = tpu.memref_slice %arg7[%dma_wait3A_368, %dma_wait3A_370, %dma_wait3A_371] : memref<10x128x64xf32, #tpu.memory_space<vmem>> -> memref<1x128x64xf32, #tpu.memory_space<vmem>>
      %dma_wait3A_373 = tpu.memref_squeeze %dma_wait3A_372 : memref<1x128x64xf32, #tpu.memory_space<vmem>> -> memref<128x64xf32, #tpu.memory_space<vmem>>
      %dma_wait3A_374 = arith.constant 0 : i32
      %dma_wait3A_375 = tpu.memref_slice %arg5[%add3A_357, %dma_wait3A_374] : memref<50x128xi32, #tpu.memory_space<vmem>> -> memref<1x128xi32, #tpu.memory_space<vmem>>
      %dma_wait3A_376 = tpu.memref_squeeze %dma_wait3A_375 : memref<1x128xi32, #tpu.memory_space<vmem>> -> memref<128xi32, #tpu.memory_space<vmem>>
      %dma_wait3A_377 = arith.constant 0 : i32
      %dma_wait3A_378 = arith.constant 0 : i32
      %dma_wait3A_379 = tpu.memref_slice %arg6[%dma_wait3A_377, %dma_wait3A_378] : memref<1000x64xf32, #tpu.memory_space<vmem_shared>> -> memref<1000x64xf32, #tpu.memory_space<vmem_shared>>
      %dma_wait3A_380 = tpu.memref_slice %arg8[%dma_wait3A_369] : memref<10x!tpu.dma_semaphore, #tpu.memory_space<semaphore_mem>> -> memref<1x!tpu.dma_semaphore, #tpu.memory_space<semaphore_mem>>
      %dma_wait3A_381 = tpu.memref_squeeze %dma_wait3A_380 : memref<1x!tpu.dma_semaphore, #tpu.memory_space<semaphore_mem>> -> memref<!tpu.dma_semaphore, #tpu.memory_space<semaphore_mem>>
      tpu.wait_indirect_dma semaphore(%dma_wait3A_381 : memref<!tpu.dma_semaphore, #tpu.memory_space<semaphore_mem>>) src(%dma_wait3A_379 : memref<1000x64xf32, #tpu.memory_space<vmem_shared>>) dst(%dma_wait3A_373 : memref<128x64xf32, #tpu.memory_space<vmem>>)
      %mul3A_382 = arith.constant 128 : i32
      %mul3A_383 = arith.muli %add3A_357, %mul3A_382 : i32
      %add3A_384 = arith.addi %mul3A_2, %mul3A_383 : i32
      %dma_start3A_385 = arith.constant 4 : i32
      %dma_start3A_386 = arith.constant 4 : i32
      %dma_start3A_387 = arith.constant 0 : i32
      %dma_start3A_388 = arith.constant 0 : i32
      %dma_start3A_389 = tpu.memref_slice %arg7[%dma_start3A_385, %dma_start3A_387, %dma_start3A_388] : memref<10x128x64xf32, #tpu.memory_space<vmem>> -> memref<1x128x64xf32, #tpu.memory_space<vmem>>
      %dma_start3A_390 = tpu.memref_squeeze %dma_start3A_389 : memref<1x128x64xf32, #tpu.memory_space<vmem>> -> memref<128x64xf32, #tpu.memory_space<vmem>>
      %dma_start3A_391 = arith.constant 0 : i32
      %dma_start3A_392 = tpu.memref_slice %arg4[%add3A_384, %dma_start3A_391] : memref<204800x64xf32, #tpu.memory_space<hbm>> -> memref<128x64xf32, #tpu.memory_space<hbm>>
      %dma_start3A_393 = tpu.memref_slice %arg9[%dma_start3A_386] : memref<10x!tpu.dma_semaphore, #tpu.memory_space<semaphore_mem>> -> memref<1x!tpu.dma_semaphore, #tpu.memory_space<semaphore_mem>>
      %dma_start3A_394 = tpu.memref_squeeze %dma_start3A_393 : memref<1x!tpu.dma_semaphore, #tpu.memory_space<semaphore_mem>> -> memref<!tpu.dma_semaphore, #tpu.memory_space<semaphore_mem>>
      %dma_start3A_395 = arith.constant 0 : i32
      %dma_start3A_396 = tpu.memref_slice %arg4[%add3A_384, %dma_start3A_395] : memref<204800x64xf32, #tpu.memory_space<hbm>> -> memref<128x64xf32, #tpu.memory_space<hbm>>
      %dma_start3A_397 = arith.constant 0 : i32
      %dma_start3A_398 = arith.constant 0 : i32
      %dma_start3A_399 = tpu.memref_slice %arg7[%dma_start3A_385, %dma_start3A_397, %dma_start3A_398] : memref<10x128x64xf32, #tpu.memory_space<vmem>> -> memref<1x128x64xf32, #tpu.memory_space<vmem>>
      %dma_start3A_400 = tpu.memref_squeeze %dma_start3A_399 : memref<1x128x64xf32, #tpu.memory_space<vmem>> -> memref<128x64xf32, #tpu.memory_space<vmem>>
      tpu.enqueue_dma source(%dma_start3A_400 : memref<128x64xf32, #tpu.memory_space<vmem>>) target(%dma_start3A_396 : memref<128x64xf32, #tpu.memory_space<hbm>>) target_semaphore(%dma_start3A_394 : memref<!tpu.dma_semaphore, #tpu.memory_space<semaphore_mem>>)
      %add3A_401 = arith.constant 5 : i32
      %add3A_402 = arith.addi %add3A_176, %add3A_401 : i32
      %lt3A = arith.constant 40 : i32
      %lt3A_403 = arith.cmpi slt, %add3A_176, %lt3A : i32
      %convert_element_type3A_404 = arith.extui %lt3A_403 : i1 to i32
      %cond3A_405 = arith.constant 0 : i32
      %cond3A_406 = arith.cmpi ne, %convert_element_type3A_404, %cond3A_405 : i32
      scf.if %cond3A_406 {
        %sub3A = arith.constant 5 : i32
        %sub3A_625 = arith.subi %add3A_402, %sub3A : i32
        %mul3A_626 = arith.constant 128 : i32
        %mul3A_627 = arith.muli %sub3A_625, %mul3A_626 : i32
        %add3A_628 = arith.addi %mul3A_2, %mul3A_627 : i32
        %dma_wait3A_629 = arith.constant 0 : i32
        %dma_wait3A_630 = arith.constant 0 : i32
        %dma_wait3A_631 = arith.constant 0 : i32
        %dma_wait3A_632 = arith.constant 0 : i32
        %dma_wait3A_633 = tpu.memref_slice %arg7[%dma_wait3A_629, %dma_wait3A_631, %dma_wait3A_632] : memref<10x128x64xf32, #tpu.memory_space<vmem>> -> memref<1x128x64xf32, #tpu.memory_space<vmem>>
        %dma_wait3A_634 = tpu.memref_squeeze %dma_wait3A_633 : memref<1x128x64xf32, #tpu.memory_space<vmem>> -> memref<128x64xf32, #tpu.memory_space<vmem>>
        %dma_wait3A_635 = arith.constant 0 : i32
        %dma_wait3A_636 = tpu.memref_slice %arg4[%add3A_628, %dma_wait3A_635] : memref<204800x64xf32, #tpu.memory_space<hbm>> -> memref<128x64xf32, #tpu.memory_space<hbm>>
        %dma_wait3A_637 = tpu.memref_slice %arg9[%dma_wait3A_630] : memref<10x!tpu.dma_semaphore, #tpu.memory_space<semaphore_mem>> -> memref<1x!tpu.dma_semaphore, #tpu.memory_space<semaphore_mem>>
        %dma_wait3A_638 = tpu.memref_squeeze %dma_wait3A_637 : memref<1x!tpu.dma_semaphore, #tpu.memory_space<semaphore_mem>> -> memref<!tpu.dma_semaphore, #tpu.memory_space<semaphore_mem>>
        %dma_wait3A_639 = arith.constant 0 : i32
        %dma_wait3A_640 = tpu.memref_slice %arg4[%add3A_628, %dma_wait3A_639] : memref<204800x64xf32, #tpu.memory_space<hbm>> -> memref<128x64xf32, #tpu.memory_space<hbm>>
        %dma_wait3A_641 = arith.constant 0 : i32
        %dma_wait3A_642 = arith.constant 0 : i32
        %dma_wait3A_643 = tpu.memref_slice %arg7[%dma_wait3A_629, %dma_wait3A_641, %dma_wait3A_642] : memref<10x128x64xf32, #tpu.memory_space<vmem>> -> memref<1x128x64xf32, #tpu.memory_space<vmem>>
        %dma_wait3A_644 = tpu.memref_squeeze %dma_wait3A_643 : memref<1x128x64xf32, #tpu.memory_space<vmem>> -> memref<128x64xf32, #tpu.memory_space<vmem>>
        tpu.wait_dma2 semaphore(%dma_wait3A_638 : memref<!tpu.dma_semaphore, #tpu.memory_space<semaphore_mem>>) src(%dma_wait3A_644 : memref<128x64xf32, #tpu.memory_space<vmem>>) dst(%dma_wait3A_640 : memref<128x64xf32, #tpu.memory_space<hbm>>)
        %add3A_645 = arith.constant 5 : i32
        %add3A_646 = arith.addi %add3A_402, %add3A_645 : i32
        %dma_start3A_647 = arith.constant 0 : i32
        %dma_start3A_648 = arith.constant 0 : i32
        %dma_start3A_649 = arith.constant 0 : i32
        %dma_start3A_650 = arith.constant 0 : i32
        %dma_start3A_651 = tpu.memref_slice %arg7[%dma_start3A_647, %dma_start3A_649, %dma_start3A_650] : memref<10x128x64xf32, #tpu.memory_space<vmem>> -> memref<1x128x64xf32, #tpu.memory_space<vmem>>
        %dma_start3A_652 = tpu.memref_squeeze %dma_start3A_651 : memref<1x128x64xf32, #tpu.memory_space<vmem>> -> memref<128x64xf32, #tpu.memory_space<vmem>>
        %dma_start3A_653 = arith.constant 0 : i32
        %dma_start3A_654 = tpu.memref_slice %arg5[%add3A_646, %dma_start3A_653] : memref<50x128xi32, #tpu.memory_space<vmem>> -> memref<1x128xi32, #tpu.memory_space<vmem>>
        %dma_start3A_655 = tpu.memref_squeeze %dma_start3A_654 : memref<1x128xi32, #tpu.memory_space<vmem>> -> memref<128xi32, #tpu.memory_space<vmem>>
        %dma_start3A_656 = arith.constant 0 : i32
        %dma_start3A_657 = arith.constant 0 : i32
        %dma_start3A_658 = tpu.memref_slice %arg6[%dma_start3A_656, %dma_start3A_657] : memref<1000x64xf32, #tpu.memory_space<vmem_shared>> -> memref<1000x64xf32, #tpu.memory_space<vmem_shared>>
        %dma_start3A_659 = tpu.memref_slice %arg8[%dma_start3A_648] : memref<10x!tpu.dma_semaphore, #tpu.memory_space<semaphore_mem>> -> memref<1x!tpu.dma_semaphore, #tpu.memory_space<semaphore_mem>>
        %dma_start3A_660 = tpu.memref_squeeze %dma_start3A_659 : memref<1x!tpu.dma_semaphore, #tpu.memory_space<semaphore_mem>> -> memref<!tpu.dma_semaphore, #tpu.memory_space<semaphore_mem>>
        tpu.enqueue_indirect_dma source(%dma_start3A_658 : memref<1000x64xf32, #tpu.memory_space<vmem_shared>>) target(%dma_start3A_652 : memref<128x64xf32, #tpu.memory_space<vmem>>) offsets(%dma_start3A_655 : memref<128xi32, #tpu.memory_space<vmem>>) semaphore(%dma_start3A_660 : memref<!tpu.dma_semaphore, #tpu.memory_space<semaphore_mem>>)
      } else {
      }
      %eq3A_407 = arith.constant 40 : i32
      %eq3A_408 = arith.cmpi eq, %add3A_176, %eq3A_407 : i32
      %convert_element_type3A_409 = arith.extui %eq3A_408 : i1 to i32
      %cond3A_410 = arith.constant 0 : i32
      %cond3A_411 = arith.cmpi ne, %convert_element_type3A_409, %cond3A_410 : i32
      scf.if %cond3A_411 {
        %sub3A = arith.constant 5 : i32
        %sub3A_625 = arith.subi %add3A_402, %sub3A : i32
        %mul3A_626 = arith.constant 128 : i32
        %mul3A_627 = arith.muli %sub3A_625, %mul3A_626 : i32
        %add3A_628 = arith.addi %mul3A_2, %mul3A_627 : i32
        %dma_wait3A_629 = arith.constant 0 : i32
        %dma_wait3A_630 = arith.constant 0 : i32
        %dma_wait3A_631 = arith.constant 0 : i32
        %dma_wait3A_632 = arith.constant 0 : i32
        %dma_wait3A_633 = tpu.memref_slice %arg7[%dma_wait3A_629, %dma_wait3A_631, %dma_wait3A_632] : memref<10x128x64xf32, #tpu.memory_space<vmem>> -> memref<1x128x64xf32, #tpu.memory_space<vmem>>
        %dma_wait3A_634 = tpu.memref_squeeze %dma_wait3A_633 : memref<1x128x64xf32, #tpu.memory_space<vmem>> -> memref<128x64xf32, #tpu.memory_space<vmem>>
        %dma_wait3A_635 = arith.constant 0 : i32
        %dma_wait3A_636 = tpu.memref_slice %arg4[%add3A_628, %dma_wait3A_635] : memref<204800x64xf32, #tpu.memory_space<hbm>> -> memref<128x64xf32, #tpu.memory_space<hbm>>
        %dma_wait3A_637 = tpu.memref_slice %arg9[%dma_wait3A_630] : memref<10x!tpu.dma_semaphore, #tpu.memory_space<semaphore_mem>> -> memref<1x!tpu.dma_semaphore, #tpu.memory_space<semaphore_mem>>
        %dma_wait3A_638 = tpu.memref_squeeze %dma_wait3A_637 : memref<1x!tpu.dma_semaphore, #tpu.memory_space<semaphore_mem>> -> memref<!tpu.dma_semaphore, #tpu.memory_space<semaphore_mem>>
        %dma_wait3A_639 = arith.constant 0 : i32
        %dma_wait3A_640 = tpu.memref_slice %arg4[%add3A_628, %dma_wait3A_639] : memref<204800x64xf32, #tpu.memory_space<hbm>> -> memref<128x64xf32, #tpu.memory_space<hbm>>
        %dma_wait3A_641 = arith.constant 0 : i32
        %dma_wait3A_642 = arith.constant 0 : i32
        %dma_wait3A_643 = tpu.memref_slice %arg7[%dma_wait3A_629, %dma_wait3A_641, %dma_wait3A_642] : memref<10x128x64xf32, #tpu.memory_space<vmem>> -> memref<1x128x64xf32, #tpu.memory_space<vmem>>
        %dma_wait3A_644 = tpu.memref_squeeze %dma_wait3A_643 : memref<1x128x64xf32, #tpu.memory_space<vmem>> -> memref<128x64xf32, #tpu.memory_space<vmem>>
        tpu.wait_dma2 semaphore(%dma_wait3A_638 : memref<!tpu.dma_semaphore, #tpu.memory_space<semaphore_mem>>) src(%dma_wait3A_644 : memref<128x64xf32, #tpu.memory_space<vmem>>) dst(%dma_wait3A_640 : memref<128x64xf32, #tpu.memory_space<hbm>>)
      } else {
      }
      %dma_wait3A_412 = arith.constant 5 : i32
      %dma_wait3A_413 = arith.constant 5 : i32
      %dma_wait3A_414 = arith.constant 0 : i32
      %dma_wait3A_415 = arith.constant 0 : i32
      %dma_wait3A_416 = tpu.memref_slice %arg7[%dma_wait3A_412, %dma_wait3A_414, %dma_wait3A_415] : memref<10x128x64xf32, #tpu.memory_space<vmem>> -> memref<1x128x64xf32, #tpu.memory_space<vmem>>
      %dma_wait3A_417 = tpu.memref_squeeze %dma_wait3A_416 : memref<1x128x64xf32, #tpu.memory_space<vmem>> -> memref<128x64xf32, #tpu.memory_space<vmem>>
      %dma_wait3A_418 = arith.constant 0 : i32
      %dma_wait3A_419 = tpu.memref_slice %arg5[%add3A_402, %dma_wait3A_418] : memref<50x128xi32, #tpu.memory_space<vmem>> -> memref<1x128xi32, #tpu.memory_space<vmem>>
      %dma_wait3A_420 = tpu.memref_squeeze %dma_wait3A_419 : memref<1x128xi32, #tpu.memory_space<vmem>> -> memref<128xi32, #tpu.memory_space<vmem>>
      %dma_wait3A_421 = arith.constant 0 : i32
      %dma_wait3A_422 = arith.constant 0 : i32
      %dma_wait3A_423 = tpu.memref_slice %arg6[%dma_wait3A_421, %dma_wait3A_422] : memref<1000x64xf32, #tpu.memory_space<vmem_shared>> -> memref<1000x64xf32, #tpu.memory_space<vmem_shared>>
      %dma_wait3A_424 = tpu.memref_slice %arg8[%dma_wait3A_413] : memref<10x!tpu.dma_semaphore, #tpu.memory_space<semaphore_mem>> -> memref<1x!tpu.dma_semaphore, #tpu.memory_space<semaphore_mem>>
      %dma_wait3A_425 = tpu.memref_squeeze %dma_wait3A_424 : memref<1x!tpu.dma_semaphore, #tpu.memory_space<semaphore_mem>> -> memref<!tpu.dma_semaphore, #tpu.memory_space<semaphore_mem>>
      tpu.wait_indirect_dma semaphore(%dma_wait3A_425 : memref<!tpu.dma_semaphore, #tpu.memory_space<semaphore_mem>>) src(%dma_wait3A_423 : memref<1000x64xf32, #tpu.memory_space<vmem_shared>>) dst(%dma_wait3A_417 : memref<128x64xf32, #tpu.memory_space<vmem>>)
      %mul3A_426 = arith.constant 128 : i32
      %mul3A_427 = arith.muli %add3A_402, %mul3A_426 : i32
      %add3A_428 = arith.addi %mul3A_2, %mul3A_427 : i32
      %dma_start3A_429 = arith.constant 5 : i32
      %dma_start3A_430 = arith.constant 5 : i32
      %dma_start3A_431 = arith.constant 0 : i32
      %dma_start3A_432 = arith.constant 0 : i32
      %dma_start3A_433 = tpu.memref_slice %arg7[%dma_start3A_429, %dma_start3A_431, %dma_start3A_432] : memref<10x128x64xf32, #tpu.memory_space<vmem>> -> memref<1x128x64xf32, #tpu.memory_space<vmem>>
      %dma_start3A_434 = tpu.memref_squeeze %dma_start3A_433 : memref<1x128x64xf32, #tpu.memory_space<vmem>> -> memref<128x64xf32, #tpu.memory_space<vmem>>
      %dma_start3A_435 = arith.constant 0 : i32
      %dma_start3A_436 = tpu.memref_slice %arg4[%add3A_428, %dma_start3A_435] : memref<204800x64xf32, #tpu.memory_space<hbm>> -> memref<128x64xf32, #tpu.memory_space<hbm>>
      %dma_start3A_437 = tpu.memref_slice %arg9[%dma_start3A_430] : memref<10x!tpu.dma_semaphore, #tpu.memory_space<semaphore_mem>> -> memref<1x!tpu.dma_semaphore, #tpu.memory_space<semaphore_mem>>
      %dma_start3A_438 = tpu.memref_squeeze %dma_start3A_437 : memref<1x!tpu.dma_semaphore, #tpu.memory_space<semaphore_mem>> -> memref<!tpu.dma_semaphore, #tpu.memory_space<semaphore_mem>>
      %dma_start3A_439 = arith.constant 0 : i32
      %dma_start3A_440 = tpu.memref_slice %arg4[%add3A_428, %dma_start3A_439] : memref<204800x64xf32, #tpu.memory_space<hbm>> -> memref<128x64xf32, #tpu.memory_space<hbm>>
      %dma_start3A_441 = arith.constant 0 : i32
      %dma_start3A_442 = arith.constant 0 : i32
      %dma_start3A_443 = tpu.memref_slice %arg7[%dma_start3A_429, %dma_start3A_441, %dma_start3A_442] : memref<10x128x64xf32, #tpu.memory_space<vmem>> -> memref<1x128x64xf32, #tpu.memory_space<vmem>>
      %dma_start3A_444 = tpu.memref_squeeze %dma_start3A_443 : memref<1x128x64xf32, #tpu.memory_space<vmem>> -> memref<128x64xf32, #tpu.memory_space<vmem>>
      tpu.enqueue_dma source(%dma_start3A_444 : memref<128x64xf32, #tpu.memory_space<vmem>>) target(%dma_start3A_440 : memref<128x64xf32, #tpu.memory_space<hbm>>) target_semaphore(%dma_start3A_438 : memref<!tpu.dma_semaphore, #tpu.memory_space<semaphore_mem>>)
      %add3A_445 = arith.constant 6 : i32
      %add3A_446 = arith.addi %add3A_176, %add3A_445 : i32
      %lt3A_447 = arith.constant 40 : i32
      %lt3A_448 = arith.cmpi slt, %add3A_176, %lt3A_447 : i32
      %convert_element_type3A_449 = arith.extui %lt3A_448 : i1 to i32
      %cond3A_450 = arith.constant 0 : i32
      %cond3A_451 = arith.cmpi ne, %convert_element_type3A_449, %cond3A_450 : i32
      scf.if %cond3A_451 {
        %sub3A = arith.constant 5 : i32
        %sub3A_625 = arith.subi %add3A_446, %sub3A : i32
        %mul3A_626 = arith.constant 128 : i32
        %mul3A_627 = arith.muli %sub3A_625, %mul3A_626 : i32
        %add3A_628 = arith.addi %mul3A_2, %mul3A_627 : i32
        %dma_wait3A_629 = arith.constant 1 : i32
        %dma_wait3A_630 = arith.constant 1 : i32
        %dma_wait3A_631 = arith.constant 0 : i32
        %dma_wait3A_632 = arith.constant 0 : i32
        %dma_wait3A_633 = tpu.memref_slice %arg7[%dma_wait3A_629, %dma_wait3A_631, %dma_wait3A_632] : memref<10x128x64xf32, #tpu.memory_space<vmem>> -> memref<1x128x64xf32, #tpu.memory_space<vmem>>
        %dma_wait3A_634 = tpu.memref_squeeze %dma_wait3A_633 : memref<1x128x64xf32, #tpu.memory_space<vmem>> -> memref<128x64xf32, #tpu.memory_space<vmem>>
        %dma_wait3A_635 = arith.constant 0 : i32
        %dma_wait3A_636 = tpu.memref_slice %arg4[%add3A_628, %dma_wait3A_635] : memref<204800x64xf32, #tpu.memory_space<hbm>> -> memref<128x64xf32, #tpu.memory_space<hbm>>
        %dma_wait3A_637 = tpu.memref_slice %arg9[%dma_wait3A_630] : memref<10x!tpu.dma_semaphore, #tpu.memory_space<semaphore_mem>> -> memref<1x!tpu.dma_semaphore, #tpu.memory_space<semaphore_mem>>
        %dma_wait3A_638 = tpu.memref_squeeze %dma_wait3A_637 : memref<1x!tpu.dma_semaphore, #tpu.memory_space<semaphore_mem>> -> memref<!tpu.dma_semaphore, #tpu.memory_space<semaphore_mem>>
        %dma_wait3A_639 = arith.constant 0 : i32
        %dma_wait3A_640 = tpu.memref_slice %arg4[%add3A_628, %dma_wait3A_639] : memref<204800x64xf32, #tpu.memory_space<hbm>> -> memref<128x64xf32, #tpu.memory_space<hbm>>
        %dma_wait3A_641 = arith.constant 0 : i32
        %dma_wait3A_642 = arith.constant 0 : i32
        %dma_wait3A_643 = tpu.memref_slice %arg7[%dma_wait3A_629, %dma_wait3A_641, %dma_wait3A_642] : memref<10x128x64xf32, #tpu.memory_space<vmem>> -> memref<1x128x64xf32, #tpu.memory_space<vmem>>
        %dma_wait3A_644 = tpu.memref_squeeze %dma_wait3A_643 : memref<1x128x64xf32, #tpu.memory_space<vmem>> -> memref<128x64xf32, #tpu.memory_space<vmem>>
        tpu.wait_dma2 semaphore(%dma_wait3A_638 : memref<!tpu.dma_semaphore, #tpu.memory_space<semaphore_mem>>) src(%dma_wait3A_644 : memref<128x64xf32, #tpu.memory_space<vmem>>) dst(%dma_wait3A_640 : memref<128x64xf32, #tpu.memory_space<hbm>>)
        %add3A_645 = arith.constant 5 : i32
        %add3A_646 = arith.addi %add3A_446, %add3A_645 : i32
        %dma_start3A_647 = arith.constant 1 : i32
        %dma_start3A_648 = arith.constant 1 : i32
        %dma_start3A_649 = arith.constant 0 : i32
        %dma_start3A_650 = arith.constant 0 : i32
        %dma_start3A_651 = tpu.memref_slice %arg7[%dma_start3A_647, %dma_start3A_649, %dma_start3A_650] : memref<10x128x64xf32, #tpu.memory_space<vmem>> -> memref<1x128x64xf32, #tpu.memory_space<vmem>>
        %dma_start3A_652 = tpu.memref_squeeze %dma_start3A_651 : memref<1x128x64xf32, #tpu.memory_space<vmem>> -> memref<128x64xf32, #tpu.memory_space<vmem>>
        %dma_start3A_653 = arith.constant 0 : i32
        %dma_start3A_654 = tpu.memref_slice %arg5[%add3A_646, %dma_start3A_653] : memref<50x128xi32, #tpu.memory_space<vmem>> -> memref<1x128xi32, #tpu.memory_space<vmem>>
        %dma_start3A_655 = tpu.memref_squeeze %dma_start3A_654 : memref<1x128xi32, #tpu.memory_space<vmem>> -> memref<128xi32, #tpu.memory_space<vmem>>
        %dma_start3A_656 = arith.constant 0 : i32
        %dma_start3A_657 = arith.constant 0 : i32
        %dma_start3A_658 = tpu.memref_slice %arg6[%dma_start3A_656, %dma_start3A_657] : memref<1000x64xf32, #tpu.memory_space<vmem_shared>> -> memref<1000x64xf32, #tpu.memory_space<vmem_shared>>
        %dma_start3A_659 = tpu.memref_slice %arg8[%dma_start3A_648] : memref<10x!tpu.dma_semaphore, #tpu.memory_space<semaphore_mem>> -> memref<1x!tpu.dma_semaphore, #tpu.memory_space<semaphore_mem>>
        %dma_start3A_660 = tpu.memref_squeeze %dma_start3A_659 : memref<1x!tpu.dma_semaphore, #tpu.memory_space<semaphore_mem>> -> memref<!tpu.dma_semaphore, #tpu.memory_space<semaphore_mem>>
        tpu.enqueue_indirect_dma source(%dma_start3A_658 : memref<1000x64xf32, #tpu.memory_space<vmem_shared>>) target(%dma_start3A_652 : memref<128x64xf32, #tpu.memory_space<vmem>>) offsets(%dma_start3A_655 : memref<128xi32, #tpu.memory_space<vmem>>) semaphore(%dma_start3A_660 : memref<!tpu.dma_semaphore, #tpu.memory_space<semaphore_mem>>)
      } else {
      }
      %eq3A_452 = arith.constant 40 : i32
      %eq3A_453 = arith.cmpi eq, %add3A_176, %eq3A_452 : i32
      %convert_element_type3A_454 = arith.extui %eq3A_453 : i1 to i32
      %cond3A_455 = arith.constant 0 : i32
      %cond3A_456 = arith.cmpi ne, %convert_element_type3A_454, %cond3A_455 : i32
      scf.if %cond3A_456 {
        %sub3A = arith.constant 5 : i32
        %sub3A_625 = arith.subi %add3A_446, %sub3A : i32
        %mul3A_626 = arith.constant 128 : i32
        %mul3A_627 = arith.muli %sub3A_625, %mul3A_626 : i32
        %add3A_628 = arith.addi %mul3A_2, %mul3A_627 : i32
        %dma_wait3A_629 = arith.constant 1 : i32
        %dma_wait3A_630 = arith.constant 1 : i32
        %dma_wait3A_631 = arith.constant 0 : i32
        %dma_wait3A_632 = arith.constant 0 : i32
        %dma_wait3A_633 = tpu.memref_slice %arg7[%dma_wait3A_629, %dma_wait3A_631, %dma_wait3A_632] : memref<10x128x64xf32, #tpu.memory_space<vmem>> -> memref<1x128x64xf32, #tpu.memory_space<vmem>>
        %dma_wait3A_634 = tpu.memref_squeeze %dma_wait3A_633 : memref<1x128x64xf32, #tpu.memory_space<vmem>> -> memref<128x64xf32, #tpu.memory_space<vmem>>
        %dma_wait3A_635 = arith.constant 0 : i32
        %dma_wait3A_636 = tpu.memref_slice %arg4[%add3A_628, %dma_wait3A_635] : memref<204800x64xf32, #tpu.memory_space<hbm>> -> memref<128x64xf32, #tpu.memory_space<hbm>>
        %dma_wait3A_637 = tpu.memref_slice %arg9[%dma_wait3A_630] : memref<10x!tpu.dma_semaphore, #tpu.memory_space<semaphore_mem>> -> memref<1x!tpu.dma_semaphore, #tpu.memory_space<semaphore_mem>>
        %dma_wait3A_638 = tpu.memref_squeeze %dma_wait3A_637 : memref<1x!tpu.dma_semaphore, #tpu.memory_space<semaphore_mem>> -> memref<!tpu.dma_semaphore, #tpu.memory_space<semaphore_mem>>
        %dma_wait3A_639 = arith.constant 0 : i32
        %dma_wait3A_640 = tpu.memref_slice %arg4[%add3A_628, %dma_wait3A_639] : memref<204800x64xf32, #tpu.memory_space<hbm>> -> memref<128x64xf32, #tpu.memory_space<hbm>>
        %dma_wait3A_641 = arith.constant 0 : i32
        %dma_wait3A_642 = arith.constant 0 : i32
        %dma_wait3A_643 = tpu.memref_slice %arg7[%dma_wait3A_629, %dma_wait3A_641, %dma_wait3A_642] : memref<10x128x64xf32, #tpu.memory_space<vmem>> -> memref<1x128x64xf32, #tpu.memory_space<vmem>>
        %dma_wait3A_644 = tpu.memref_squeeze %dma_wait3A_643 : memref<1x128x64xf32, #tpu.memory_space<vmem>> -> memref<128x64xf32, #tpu.memory_space<vmem>>
        tpu.wait_dma2 semaphore(%dma_wait3A_638 : memref<!tpu.dma_semaphore, #tpu.memory_space<semaphore_mem>>) src(%dma_wait3A_644 : memref<128x64xf32, #tpu.memory_space<vmem>>) dst(%dma_wait3A_640 : memref<128x64xf32, #tpu.memory_space<hbm>>)
      } else {
      }
      %dma_wait3A_457 = arith.constant 6 : i32
      %dma_wait3A_458 = arith.constant 6 : i32
      %dma_wait3A_459 = arith.constant 0 : i32
      %dma_wait3A_460 = arith.constant 0 : i32
      %dma_wait3A_461 = tpu.memref_slice %arg7[%dma_wait3A_457, %dma_wait3A_459, %dma_wait3A_460] : memref<10x128x64xf32, #tpu.memory_space<vmem>> -> memref<1x128x64xf32, #tpu.memory_space<vmem>>
      %dma_wait3A_462 = tpu.memref_squeeze %dma_wait3A_461 : memref<1x128x64xf32, #tpu.memory_space<vmem>> -> memref<128x64xf32, #tpu.memory_space<vmem>>
      %dma_wait3A_463 = arith.constant 0 : i32
      %dma_wait3A_464 = tpu.memref_slice %arg5[%add3A_446, %dma_wait3A_463] : memref<50x128xi32, #tpu.memory_space<vmem>> -> memref<1x128xi32, #tpu.memory_space<vmem>>
      %dma_wait3A_465 = tpu.memref_squeeze %dma_wait3A_464 : memref<1x128xi32, #tpu.memory_space<vmem>> -> memref<128xi32, #tpu.memory_space<vmem>>
      %dma_wait3A_466 = arith.constant 0 : i32
      %dma_wait3A_467 = arith.constant 0 : i32
      %dma_wait3A_468 = tpu.memref_slice %arg6[%dma_wait3A_466, %dma_wait3A_467] : memref<1000x64xf32, #tpu.memory_space<vmem_shared>> -> memref<1000x64xf32, #tpu.memory_space<vmem_shared>>
      %dma_wait3A_469 = tpu.memref_slice %arg8[%dma_wait3A_458] : memref<10x!tpu.dma_semaphore, #tpu.memory_space<semaphore_mem>> -> memref<1x!tpu.dma_semaphore, #tpu.memory_space<semaphore_mem>>
      %dma_wait3A_470 = tpu.memref_squeeze %dma_wait3A_469 : memref<1x!tpu.dma_semaphore, #tpu.memory_space<semaphore_mem>> -> memref<!tpu.dma_semaphore, #tpu.memory_space<semaphore_mem>>
      tpu.wait_indirect_dma semaphore(%dma_wait3A_470 : memref<!tpu.dma_semaphore, #tpu.memory_space<semaphore_mem>>) src(%dma_wait3A_468 : memref<1000x64xf32, #tpu.memory_space<vmem_shared>>) dst(%dma_wait3A_462 : memref<128x64xf32, #tpu.memory_space<vmem>>)
      %mul3A_471 = arith.constant 128 : i32
      %mul3A_472 = arith.muli %add3A_446, %mul3A_471 : i32
      %add3A_473 = arith.addi %mul3A_2, %mul3A_472 : i32
      %dma_start3A_474 = arith.constant 6 : i32
      %dma_start3A_475 = arith.constant 6 : i32
      %dma_start3A_476 = arith.constant 0 : i32
      %dma_start3A_477 = arith.constant 0 : i32
      %dma_start3A_478 = tpu.memref_slice %arg7[%dma_start3A_474, %dma_start3A_476, %dma_start3A_477] : memref<10x128x64xf32, #tpu.memory_space<vmem>> -> memref<1x128x64xf32, #tpu.memory_space<vmem>>
      %dma_start3A_479 = tpu.memref_squeeze %dma_start3A_478 : memref<1x128x64xf32, #tpu.memory_space<vmem>> -> memref<128x64xf32, #tpu.memory_space<vmem>>
      %dma_start3A_480 = arith.constant 0 : i32
      %dma_start3A_481 = tpu.memref_slice %arg4[%add3A_473, %dma_start3A_480] : memref<204800x64xf32, #tpu.memory_space<hbm>> -> memref<128x64xf32, #tpu.memory_space<hbm>>
      %dma_start3A_482 = tpu.memref_slice %arg9[%dma_start3A_475] : memref<10x!tpu.dma_semaphore, #tpu.memory_space<semaphore_mem>> -> memref<1x!tpu.dma_semaphore, #tpu.memory_space<semaphore_mem>>
      %dma_start3A_483 = tpu.memref_squeeze %dma_start3A_482 : memref<1x!tpu.dma_semaphore, #tpu.memory_space<semaphore_mem>> -> memref<!tpu.dma_semaphore, #tpu.memory_space<semaphore_mem>>
      %dma_start3A_484 = arith.constant 0 : i32
      %dma_start3A_485 = tpu.memref_slice %arg4[%add3A_473, %dma_start3A_484] : memref<204800x64xf32, #tpu.memory_space<hbm>> -> memref<128x64xf32, #tpu.memory_space<hbm>>
      %dma_start3A_486 = arith.constant 0 : i32
      %dma_start3A_487 = arith.constant 0 : i32
      %dma_start3A_488 = tpu.memref_slice %arg7[%dma_start3A_474, %dma_start3A_486, %dma_start3A_487] : memref<10x128x64xf32, #tpu.memory_space<vmem>> -> memref<1x128x64xf32, #tpu.memory_space<vmem>>
      %dma_start3A_489 = tpu.memref_squeeze %dma_start3A_488 : memref<1x128x64xf32, #tpu.memory_space<vmem>> -> memref<128x64xf32, #tpu.memory_space<vmem>>
      tpu.enqueue_dma source(%dma_start3A_489 : memref<128x64xf32, #tpu.memory_space<vmem>>) target(%dma_start3A_485 : memref<128x64xf32, #tpu.memory_space<hbm>>) target_semaphore(%dma_start3A_483 : memref<!tpu.dma_semaphore, #tpu.memory_space<semaphore_mem>>)
      %add3A_490 = arith.constant 7 : i32
      %add3A_491 = arith.addi %add3A_176, %add3A_490 : i32
      %lt3A_492 = arith.constant 40 : i32
      %lt3A_493 = arith.cmpi slt, %add3A_176, %lt3A_492 : i32
      %convert_element_type3A_494 = arith.extui %lt3A_493 : i1 to i32
      %cond3A_495 = arith.constant 0 : i32
      %cond3A_496 = arith.cmpi ne, %convert_element_type3A_494, %cond3A_495 : i32
      scf.if %cond3A_496 {
        %sub3A = arith.constant 5 : i32
        %sub3A_625 = arith.subi %add3A_491, %sub3A : i32
        %mul3A_626 = arith.constant 128 : i32
        %mul3A_627 = arith.muli %sub3A_625, %mul3A_626 : i32
        %add3A_628 = arith.addi %mul3A_2, %mul3A_627 : i32
        %dma_wait3A_629 = arith.constant 2 : i32
        %dma_wait3A_630 = arith.constant 2 : i32
        %dma_wait3A_631 = arith.constant 0 : i32
        %dma_wait3A_632 = arith.constant 0 : i32
        %dma_wait3A_633 = tpu.memref_slice %arg7[%dma_wait3A_629, %dma_wait3A_631, %dma_wait3A_632] : memref<10x128x64xf32, #tpu.memory_space<vmem>> -> memref<1x128x64xf32, #tpu.memory_space<vmem>>
        %dma_wait3A_634 = tpu.memref_squeeze %dma_wait3A_633 : memref<1x128x64xf32, #tpu.memory_space<vmem>> -> memref<128x64xf32, #tpu.memory_space<vmem>>
        %dma_wait3A_635 = arith.constant 0 : i32
        %dma_wait3A_636 = tpu.memref_slice %arg4[%add3A_628, %dma_wait3A_635] : memref<204800x64xf32, #tpu.memory_space<hbm>> -> memref<128x64xf32, #tpu.memory_space<hbm>>
        %dma_wait3A_637 = tpu.memref_slice %arg9[%dma_wait3A_630] : memref<10x!tpu.dma_semaphore, #tpu.memory_space<semaphore_mem>> -> memref<1x!tpu.dma_semaphore, #tpu.memory_space<semaphore_mem>>
        %dma_wait3A_638 = tpu.memref_squeeze %dma_wait3A_637 : memref<1x!tpu.dma_semaphore, #tpu.memory_space<semaphore_mem>> -> memref<!tpu.dma_semaphore, #tpu.memory_space<semaphore_mem>>
        %dma_wait3A_639 = arith.constant 0 : i32
        %dma_wait3A_640 = tpu.memref_slice %arg4[%add3A_628, %dma_wait3A_639] : memref<204800x64xf32, #tpu.memory_space<hbm>> -> memref<128x64xf32, #tpu.memory_space<hbm>>
        %dma_wait3A_641 = arith.constant 0 : i32
        %dma_wait3A_642 = arith.constant 0 : i32
        %dma_wait3A_643 = tpu.memref_slice %arg7[%dma_wait3A_629, %dma_wait3A_641, %dma_wait3A_642] : memref<10x128x64xf32, #tpu.memory_space<vmem>> -> memref<1x128x64xf32, #tpu.memory_space<vmem>>
        %dma_wait3A_644 = tpu.memref_squeeze %dma_wait3A_643 : memref<1x128x64xf32, #tpu.memory_space<vmem>> -> memref<128x64xf32, #tpu.memory_space<vmem>>
        tpu.wait_dma2 semaphore(%dma_wait3A_638 : memref<!tpu.dma_semaphore, #tpu.memory_space<semaphore_mem>>) src(%dma_wait3A_644 : memref<128x64xf32, #tpu.memory_space<vmem>>) dst(%dma_wait3A_640 : memref<128x64xf32, #tpu.memory_space<hbm>>)
        %add3A_645 = arith.constant 5 : i32
        %add3A_646 = arith.addi %add3A_491, %add3A_645 : i32
        %dma_start3A_647 = arith.constant 2 : i32
        %dma_start3A_648 = arith.constant 2 : i32
        %dma_start3A_649 = arith.constant 0 : i32
        %dma_start3A_650 = arith.constant 0 : i32
        %dma_start3A_651 = tpu.memref_slice %arg7[%dma_start3A_647, %dma_start3A_649, %dma_start3A_650] : memref<10x128x64xf32, #tpu.memory_space<vmem>> -> memref<1x128x64xf32, #tpu.memory_space<vmem>>
        %dma_start3A_652 = tpu.memref_squeeze %dma_start3A_651 : memref<1x128x64xf32, #tpu.memory_space<vmem>> -> memref<128x64xf32, #tpu.memory_space<vmem>>
        %dma_start3A_653 = arith.constant 0 : i32
        %dma_start3A_654 = tpu.memref_slice %arg5[%add3A_646, %dma_start3A_653] : memref<50x128xi32, #tpu.memory_space<vmem>> -> memref<1x128xi32, #tpu.memory_space<vmem>>
        %dma_start3A_655 = tpu.memref_squeeze %dma_start3A_654 : memref<1x128xi32, #tpu.memory_space<vmem>> -> memref<128xi32, #tpu.memory_space<vmem>>
        %dma_start3A_656 = arith.constant 0 : i32
        %dma_start3A_657 = arith.constant 0 : i32
        %dma_start3A_658 = tpu.memref_slice %arg6[%dma_start3A_656, %dma_start3A_657] : memref<1000x64xf32, #tpu.memory_space<vmem_shared>> -> memref<1000x64xf32, #tpu.memory_space<vmem_shared>>
        %dma_start3A_659 = tpu.memref_slice %arg8[%dma_start3A_648] : memref<10x!tpu.dma_semaphore, #tpu.memory_space<semaphore_mem>> -> memref<1x!tpu.dma_semaphore, #tpu.memory_space<semaphore_mem>>
        %dma_start3A_660 = tpu.memref_squeeze %dma_start3A_659 : memref<1x!tpu.dma_semaphore, #tpu.memory_space<semaphore_mem>> -> memref<!tpu.dma_semaphore, #tpu.memory_space<semaphore_mem>>
        tpu.enqueue_indirect_dma source(%dma_start3A_658 : memref<1000x64xf32, #tpu.memory_space<vmem_shared>>) target(%dma_start3A_652 : memref<128x64xf32, #tpu.memory_space<vmem>>) offsets(%dma_start3A_655 : memref<128xi32, #tpu.memory_space<vmem>>) semaphore(%dma_start3A_660 : memref<!tpu.dma_semaphore, #tpu.memory_space<semaphore_mem>>)
      } else {
      }
      %eq3A_497 = arith.constant 40 : i32
      %eq3A_498 = arith.cmpi eq, %add3A_176, %eq3A_497 : i32
      %convert_element_type3A_499 = arith.extui %eq3A_498 : i1 to i32
      %cond3A_500 = arith.constant 0 : i32
      %cond3A_501 = arith.cmpi ne, %convert_element_type3A_499, %cond3A_500 : i32
      scf.if %cond3A_501 {
        %sub3A = arith.constant 5 : i32
        %sub3A_625 = arith.subi %add3A_491, %sub3A : i32
        %mul3A_626 = arith.constant 128 : i32
        %mul3A_627 = arith.muli %sub3A_625, %mul3A_626 : i32
        %add3A_628 = arith.addi %mul3A_2, %mul3A_627 : i32
        %dma_wait3A_629 = arith.constant 2 : i32
        %dma_wait3A_630 = arith.constant 2 : i32
        %dma_wait3A_631 = arith.constant 0 : i32
        %dma_wait3A_632 = arith.constant 0 : i32
        %dma_wait3A_633 = tpu.memref_slice %arg7[%dma_wait3A_629, %dma_wait3A_631, %dma_wait3A_632] : memref<10x128x64xf32, #tpu.memory_space<vmem>> -> memref<1x128x64xf32, #tpu.memory_space<vmem>>
        %dma_wait3A_634 = tpu.memref_squeeze %dma_wait3A_633 : memref<1x128x64xf32, #tpu.memory_space<vmem>> -> memref<128x64xf32, #tpu.memory_space<vmem>>
        %dma_wait3A_635 = arith.constant 0 : i32
        %dma_wait3A_636 = tpu.memref_slice %arg4[%add3A_628, %dma_wait3A_635] : memref<204800x64xf32, #tpu.memory_space<hbm>> -> memref<128x64xf32, #tpu.memory_space<hbm>>
        %dma_wait3A_637 = tpu.memref_slice %arg9[%dma_wait3A_630] : memref<10x!tpu.dma_semaphore, #tpu.memory_space<semaphore_mem>> -> memref<1x!tpu.dma_semaphore, #tpu.memory_space<semaphore_mem>>
        %dma_wait3A_638 = tpu.memref_squeeze %dma_wait3A_637 : memref<1x!tpu.dma_semaphore, #tpu.memory_space<semaphore_mem>> -> memref<!tpu.dma_semaphore, #tpu.memory_space<semaphore_mem>>
        %dma_wait3A_639 = arith.constant 0 : i32
        %dma_wait3A_640 = tpu.memref_slice %arg4[%add3A_628, %dma_wait3A_639] : memref<204800x64xf32, #tpu.memory_space<hbm>> -> memref<128x64xf32, #tpu.memory_space<hbm>>
        %dma_wait3A_641 = arith.constant 0 : i32
        %dma_wait3A_642 = arith.constant 0 : i32
        %dma_wait3A_643 = tpu.memref_slice %arg7[%dma_wait3A_629, %dma_wait3A_641, %dma_wait3A_642] : memref<10x128x64xf32, #tpu.memory_space<vmem>> -> memref<1x128x64xf32, #tpu.memory_space<vmem>>
        %dma_wait3A_644 = tpu.memref_squeeze %dma_wait3A_643 : memref<1x128x64xf32, #tpu.memory_space<vmem>> -> memref<128x64xf32, #tpu.memory_space<vmem>>
        tpu.wait_dma2 semaphore(%dma_wait3A_638 : memref<!tpu.dma_semaphore, #tpu.memory_space<semaphore_mem>>) src(%dma_wait3A_644 : memref<128x64xf32, #tpu.memory_space<vmem>>) dst(%dma_wait3A_640 : memref<128x64xf32, #tpu.memory_space<hbm>>)
      } else {
      }
      %dma_wait3A_502 = arith.constant 7 : i32
      %dma_wait3A_503 = arith.constant 7 : i32
      %dma_wait3A_504 = arith.constant 0 : i32
      %dma_wait3A_505 = arith.constant 0 : i32
      %dma_wait3A_506 = tpu.memref_slice %arg7[%dma_wait3A_502, %dma_wait3A_504, %dma_wait3A_505] : memref<10x128x64xf32, #tpu.memory_space<vmem>> -> memref<1x128x64xf32, #tpu.memory_space<vmem>>
      %dma_wait3A_507 = tpu.memref_squeeze %dma_wait3A_506 : memref<1x128x64xf32, #tpu.memory_space<vmem>> -> memref<128x64xf32, #tpu.memory_space<vmem>>
      %dma_wait3A_508 = arith.constant 0 : i32
      %dma_wait3A_509 = tpu.memref_slice %arg5[%add3A_491, %dma_wait3A_508] : memref<50x128xi32, #tpu.memory_space<vmem>> -> memref<1x128xi32, #tpu.memory_space<vmem>>
      %dma_wait3A_510 = tpu.memref_squeeze %dma_wait3A_509 : memref<1x128xi32, #tpu.memory_space<vmem>> -> memref<128xi32, #tpu.memory_space<vmem>>
      %dma_wait3A_511 = arith.constant 0 : i32
      %dma_wait3A_512 = arith.constant 0 : i32
      %dma_wait3A_513 = tpu.memref_slice %arg6[%dma_wait3A_511, %dma_wait3A_512] : memref<1000x64xf32, #tpu.memory_space<vmem_shared>> -> memref<1000x64xf32, #tpu.memory_space<vmem_shared>>
      %dma_wait3A_514 = tpu.memref_slice %arg8[%dma_wait3A_503] : memref<10x!tpu.dma_semaphore, #tpu.memory_space<semaphore_mem>> -> memref<1x!tpu.dma_semaphore, #tpu.memory_space<semaphore_mem>>
      %dma_wait3A_515 = tpu.memref_squeeze %dma_wait3A_514 : memref<1x!tpu.dma_semaphore, #tpu.memory_space<semaphore_mem>> -> memref<!tpu.dma_semaphore, #tpu.memory_space<semaphore_mem>>
      tpu.wait_indirect_dma semaphore(%dma_wait3A_515 : memref<!tpu.dma_semaphore, #tpu.memory_space<semaphore_mem>>) src(%dma_wait3A_513 : memref<1000x64xf32, #tpu.memory_space<vmem_shared>>) dst(%dma_wait3A_507 : memref<128x64xf32, #tpu.memory_space<vmem>>)
      %mul3A_516 = arith.constant 128 : i32
      %mul3A_517 = arith.muli %add3A_491, %mul3A_516 : i32
      %add3A_518 = arith.addi %mul3A_2, %mul3A_517 : i32
      %dma_start3A_519 = arith.constant 7 : i32
      %dma_start3A_520 = arith.constant 7 : i32
      %dma_start3A_521 = arith.constant 0 : i32
      %dma_start3A_522 = arith.constant 0 : i32
      %dma_start3A_523 = tpu.memref_slice %arg7[%dma_start3A_519, %dma_start3A_521, %dma_start3A_522] : memref<10x128x64xf32, #tpu.memory_space<vmem>> -> memref<1x128x64xf32, #tpu.memory_space<vmem>>
      %dma_start3A_524 = tpu.memref_squeeze %dma_start3A_523 : memref<1x128x64xf32, #tpu.memory_space<vmem>> -> memref<128x64xf32, #tpu.memory_space<vmem>>
      %dma_start3A_525 = arith.constant 0 : i32
      %dma_start3A_526 = tpu.memref_slice %arg4[%add3A_518, %dma_start3A_525] : memref<204800x64xf32, #tpu.memory_space<hbm>> -> memref<128x64xf32, #tpu.memory_space<hbm>>
      %dma_start3A_527 = tpu.memref_slice %arg9[%dma_start3A_520] : memref<10x!tpu.dma_semaphore, #tpu.memory_space<semaphore_mem>> -> memref<1x!tpu.dma_semaphore, #tpu.memory_space<semaphore_mem>>
      %dma_start3A_528 = tpu.memref_squeeze %dma_start3A_527 : memref<1x!tpu.dma_semaphore, #tpu.memory_space<semaphore_mem>> -> memref<!tpu.dma_semaphore, #tpu.memory_space<semaphore_mem>>
      %dma_start3A_529 = arith.constant 0 : i32
      %dma_start3A_530 = tpu.memref_slice %arg4[%add3A_518, %dma_start3A_529] : memref<204800x64xf32, #tpu.memory_space<hbm>> -> memref<128x64xf32, #tpu.memory_space<hbm>>
      %dma_start3A_531 = arith.constant 0 : i32
      %dma_start3A_532 = arith.constant 0 : i32
      %dma_start3A_533 = tpu.memref_slice %arg7[%dma_start3A_519, %dma_start3A_531, %dma_start3A_532] : memref<10x128x64xf32, #tpu.memory_space<vmem>> -> memref<1x128x64xf32, #tpu.memory_space<vmem>>
      %dma_start3A_534 = tpu.memref_squeeze %dma_start3A_533 : memref<1x128x64xf32, #tpu.memory_space<vmem>> -> memref<128x64xf32, #tpu.memory_space<vmem>>
      tpu.enqueue_dma source(%dma_start3A_534 : memref<128x64xf32, #tpu.memory_space<vmem>>) target(%dma_start3A_530 : memref<128x64xf32, #tpu.memory_space<hbm>>) target_semaphore(%dma_start3A_528 : memref<!tpu.dma_semaphore, #tpu.memory_space<semaphore_mem>>)
      %add3A_535 = arith.constant 8 : i32
      %add3A_536 = arith.addi %add3A_176, %add3A_535 : i32
      %lt3A_537 = arith.constant 40 : i32
      %lt3A_538 = arith.cmpi slt, %add3A_176, %lt3A_537 : i32
      %convert_element_type3A_539 = arith.extui %lt3A_538 : i1 to i32
      %cond3A_540 = arith.constant 0 : i32
      %cond3A_541 = arith.cmpi ne, %convert_element_type3A_539, %cond3A_540 : i32
      scf.if %cond3A_541 {
        %sub3A = arith.constant 5 : i32
        %sub3A_625 = arith.subi %add3A_536, %sub3A : i32
        %mul3A_626 = arith.constant 128 : i32
        %mul3A_627 = arith.muli %sub3A_625, %mul3A_626 : i32
        %add3A_628 = arith.addi %mul3A_2, %mul3A_627 : i32
        %dma_wait3A_629 = arith.constant 3 : i32
        %dma_wait3A_630 = arith.constant 3 : i32
        %dma_wait3A_631 = arith.constant 0 : i32
        %dma_wait3A_632 = arith.constant 0 : i32
        %dma_wait3A_633 = tpu.memref_slice %arg7[%dma_wait3A_629, %dma_wait3A_631, %dma_wait3A_632] : memref<10x128x64xf32, #tpu.memory_space<vmem>> -> memref<1x128x64xf32, #tpu.memory_space<vmem>>
        %dma_wait3A_634 = tpu.memref_squeeze %dma_wait3A_633 : memref<1x128x64xf32, #tpu.memory_space<vmem>> -> memref<128x64xf32, #tpu.memory_space<vmem>>
        %dma_wait3A_635 = arith.constant 0 : i32
        %dma_wait3A_636 = tpu.memref_slice %arg4[%add3A_628, %dma_wait3A_635] : memref<204800x64xf32, #tpu.memory_space<hbm>> -> memref<128x64xf32, #tpu.memory_space<hbm>>
        %dma_wait3A_637 = tpu.memref_slice %arg9[%dma_wait3A_630] : memref<10x!tpu.dma_semaphore, #tpu.memory_space<semaphore_mem>> -> memref<1x!tpu.dma_semaphore, #tpu.memory_space<semaphore_mem>>
        %dma_wait3A_638 = tpu.memref_squeeze %dma_wait3A_637 : memref<1x!tpu.dma_semaphore, #tpu.memory_space<semaphore_mem>> -> memref<!tpu.dma_semaphore, #tpu.memory_space<semaphore_mem>>
        %dma_wait3A_639 = arith.constant 0 : i32
        %dma_wait3A_640 = tpu.memref_slice %arg4[%add3A_628, %dma_wait3A_639] : memref<204800x64xf32, #tpu.memory_space<hbm>> -> memref<128x64xf32, #tpu.memory_space<hbm>>
        %dma_wait3A_641 = arith.constant 0 : i32
        %dma_wait3A_642 = arith.constant 0 : i32
        %dma_wait3A_643 = tpu.memref_slice %arg7[%dma_wait3A_629, %dma_wait3A_641, %dma_wait3A_642] : memref<10x128x64xf32, #tpu.memory_space<vmem>> -> memref<1x128x64xf32, #tpu.memory_space<vmem>>
        %dma_wait3A_644 = tpu.memref_squeeze %dma_wait3A_643 : memref<1x128x64xf32, #tpu.memory_space<vmem>> -> memref<128x64xf32, #tpu.memory_space<vmem>>
        tpu.wait_dma2 semaphore(%dma_wait3A_638 : memref<!tpu.dma_semaphore, #tpu.memory_space<semaphore_mem>>) src(%dma_wait3A_644 : memref<128x64xf32, #tpu.memory_space<vmem>>) dst(%dma_wait3A_640 : memref<128x64xf32, #tpu.memory_space<hbm>>)
        %add3A_645 = arith.constant 5 : i32
        %add3A_646 = arith.addi %add3A_536, %add3A_645 : i32
        %dma_start3A_647 = arith.constant 3 : i32
        %dma_start3A_648 = arith.constant 3 : i32
        %dma_start3A_649 = arith.constant 0 : i32
        %dma_start3A_650 = arith.constant 0 : i32
        %dma_start3A_651 = tpu.memref_slice %arg7[%dma_start3A_647, %dma_start3A_649, %dma_start3A_650] : memref<10x128x64xf32, #tpu.memory_space<vmem>> -> memref<1x128x64xf32, #tpu.memory_space<vmem>>
        %dma_start3A_652 = tpu.memref_squeeze %dma_start3A_651 : memref<1x128x64xf32, #tpu.memory_space<vmem>> -> memref<128x64xf32, #tpu.memory_space<vmem>>
        %dma_start3A_653 = arith.constant 0 : i32
        %dma_start3A_654 = tpu.memref_slice %arg5[%add3A_646, %dma_start3A_653] : memref<50x128xi32, #tpu.memory_space<vmem>> -> memref<1x128xi32, #tpu.memory_space<vmem>>
        %dma_start3A_655 = tpu.memref_squeeze %dma_start3A_654 : memref<1x128xi32, #tpu.memory_space<vmem>> -> memref<128xi32, #tpu.memory_space<vmem>>
        %dma_start3A_656 = arith.constant 0 : i32
        %dma_start3A_657 = arith.constant 0 : i32
        %dma_start3A_658 = tpu.memref_slice %arg6[%dma_start3A_656, %dma_start3A_657] : memref<1000x64xf32, #tpu.memory_space<vmem_shared>> -> memref<1000x64xf32, #tpu.memory_space<vmem_shared>>
        %dma_start3A_659 = tpu.memref_slice %arg8[%dma_start3A_648] : memref<10x!tpu.dma_semaphore, #tpu.memory_space<semaphore_mem>> -> memref<1x!tpu.dma_semaphore, #tpu.memory_space<semaphore_mem>>
        %dma_start3A_660 = tpu.memref_squeeze %dma_start3A_659 : memref<1x!tpu.dma_semaphore, #tpu.memory_space<semaphore_mem>> -> memref<!tpu.dma_semaphore, #tpu.memory_space<semaphore_mem>>
        tpu.enqueue_indirect_dma source(%dma_start3A_658 : memref<1000x64xf32, #tpu.memory_space<vmem_shared>>) target(%dma_start3A_652 : memref<128x64xf32, #tpu.memory_space<vmem>>) offsets(%dma_start3A_655 : memref<128xi32, #tpu.memory_space<vmem>>) semaphore(%dma_start3A_660 : memref<!tpu.dma_semaphore, #tpu.memory_space<semaphore_mem>>)
      } else {
      }
      %eq3A_542 = arith.constant 40 : i32
      %eq3A_543 = arith.cmpi eq, %add3A_176, %eq3A_542 : i32
      %convert_element_type3A_544 = arith.extui %eq3A_543 : i1 to i32
      %cond3A_545 = arith.constant 0 : i32
      %cond3A_546 = arith.cmpi ne, %convert_element_type3A_544, %cond3A_545 : i32
      scf.if %cond3A_546 {
        %sub3A = arith.constant 5 : i32
        %sub3A_625 = arith.subi %add3A_536, %sub3A : i32
        %mul3A_626 = arith.constant 128 : i32
        %mul3A_627 = arith.muli %sub3A_625, %mul3A_626 : i32
        %add3A_628 = arith.addi %mul3A_2, %mul3A_627 : i32
        %dma_wait3A_629 = arith.constant 3 : i32
        %dma_wait3A_630 = arith.constant 3 : i32
        %dma_wait3A_631 = arith.constant 0 : i32
        %dma_wait3A_632 = arith.constant 0 : i32
        %dma_wait3A_633 = tpu.memref_slice %arg7[%dma_wait3A_629, %dma_wait3A_631, %dma_wait3A_632] : memref<10x128x64xf32, #tpu.memory_space<vmem>> -> memref<1x128x64xf32, #tpu.memory_space<vmem>>
        %dma_wait3A_634 = tpu.memref_squeeze %dma_wait3A_633 : memref<1x128x64xf32, #tpu.memory_space<vmem>> -> memref<128x64xf32, #tpu.memory_space<vmem>>
        %dma_wait3A_635 = arith.constant 0 : i32
        %dma_wait3A_636 = tpu.memref_slice %arg4[%add3A_628, %dma_wait3A_635] : memref<204800x64xf32, #tpu.memory_space<hbm>> -> memref<128x64xf32, #tpu.memory_space<hbm>>
        %dma_wait3A_637 = tpu.memref_slice %arg9[%dma_wait3A_630] : memref<10x!tpu.dma_semaphore, #tpu.memory_space<semaphore_mem>> -> memref<1x!tpu.dma_semaphore, #tpu.memory_space<semaphore_mem>>
        %dma_wait3A_638 = tpu.memref_squeeze %dma_wait3A_637 : memref<1x!tpu.dma_semaphore, #tpu.memory_space<semaphore_mem>> -> memref<!tpu.dma_semaphore, #tpu.memory_space<semaphore_mem>>
        %dma_wait3A_639 = arith.constant 0 : i32
        %dma_wait3A_640 = tpu.memref_slice %arg4[%add3A_628, %dma_wait3A_639] : memref<204800x64xf32, #tpu.memory_space<hbm>> -> memref<128x64xf32, #tpu.memory_space<hbm>>
        %dma_wait3A_641 = arith.constant 0 : i32
        %dma_wait3A_642 = arith.constant 0 : i32
        %dma_wait3A_643 = tpu.memref_slice %arg7[%dma_wait3A_629, %dma_wait3A_641, %dma_wait3A_642] : memref<10x128x64xf32, #tpu.memory_space<vmem>> -> memref<1x128x64xf32, #tpu.memory_space<vmem>>
        %dma_wait3A_644 = tpu.memref_squeeze %dma_wait3A_643 : memref<1x128x64xf32, #tpu.memory_space<vmem>> -> memref<128x64xf32, #tpu.memory_space<vmem>>
        tpu.wait_dma2 semaphore(%dma_wait3A_638 : memref<!tpu.dma_semaphore, #tpu.memory_space<semaphore_mem>>) src(%dma_wait3A_644 : memref<128x64xf32, #tpu.memory_space<vmem>>) dst(%dma_wait3A_640 : memref<128x64xf32, #tpu.memory_space<hbm>>)
      } else {
      }
      %dma_wait3A_547 = arith.constant 8 : i32
      %dma_wait3A_548 = arith.constant 8 : i32
      %dma_wait3A_549 = arith.constant 0 : i32
      %dma_wait3A_550 = arith.constant 0 : i32
      %dma_wait3A_551 = tpu.memref_slice %arg7[%dma_wait3A_547, %dma_wait3A_549, %dma_wait3A_550] : memref<10x128x64xf32, #tpu.memory_space<vmem>> -> memref<1x128x64xf32, #tpu.memory_space<vmem>>
      %dma_wait3A_552 = tpu.memref_squeeze %dma_wait3A_551 : memref<1x128x64xf32, #tpu.memory_space<vmem>> -> memref<128x64xf32, #tpu.memory_space<vmem>>
      %dma_wait3A_553 = arith.constant 0 : i32
      %dma_wait3A_554 = tpu.memref_slice %arg5[%add3A_536, %dma_wait3A_553] : memref<50x128xi32, #tpu.memory_space<vmem>> -> memref<1x128xi32, #tpu.memory_space<vmem>>
      %dma_wait3A_555 = tpu.memref_squeeze %dma_wait3A_554 : memref<1x128xi32, #tpu.memory_space<vmem>> -> memref<128xi32, #tpu.memory_space<vmem>>
      %dma_wait3A_556 = arith.constant 0 : i32
      %dma_wait3A_557 = arith.constant 0 : i32
      %dma_wait3A_558 = tpu.memref_slice %arg6[%dma_wait3A_556, %dma_wait3A_557] : memref<1000x64xf32, #tpu.memory_space<vmem_shared>> -> memref<1000x64xf32, #tpu.memory_space<vmem_shared>>
      %dma_wait3A_559 = tpu.memref_slice %arg8[%dma_wait3A_548] : memref<10x!tpu.dma_semaphore, #tpu.memory_space<semaphore_mem>> -> memref<1x!tpu.dma_semaphore, #tpu.memory_space<semaphore_mem>>
      %dma_wait3A_560 = tpu.memref_squeeze %dma_wait3A_559 : memref<1x!tpu.dma_semaphore, #tpu.memory_space<semaphore_mem>> -> memref<!tpu.dma_semaphore, #tpu.memory_space<semaphore_mem>>
      tpu.wait_indirect_dma semaphore(%dma_wait3A_560 : memref<!tpu.dma_semaphore, #tpu.memory_space<semaphore_mem>>) src(%dma_wait3A_558 : memref<1000x64xf32, #tpu.memory_space<vmem_shared>>) dst(%dma_wait3A_552 : memref<128x64xf32, #tpu.memory_space<vmem>>)
      %mul3A_561 = arith.constant 128 : i32
      %mul3A_562 = arith.muli %add3A_536, %mul3A_561 : i32
      %add3A_563 = arith.addi %mul3A_2, %mul3A_562 : i32
      %dma_start3A_564 = arith.constant 8 : i32
      %dma_start3A_565 = arith.constant 8 : i32
      %dma_start3A_566 = arith.constant 0 : i32
      %dma_start3A_567 = arith.constant 0 : i32
      %dma_start3A_568 = tpu.memref_slice %arg7[%dma_start3A_564, %dma_start3A_566, %dma_start3A_567] : memref<10x128x64xf32, #tpu.memory_space<vmem>> -> memref<1x128x64xf32, #tpu.memory_space<vmem>>
      %dma_start3A_569 = tpu.memref_squeeze %dma_start3A_568 : memref<1x128x64xf32, #tpu.memory_space<vmem>> -> memref<128x64xf32, #tpu.memory_space<vmem>>
      %dma_start3A_570 = arith.constant 0 : i32
      %dma_start3A_571 = tpu.memref_slice %arg4[%add3A_563, %dma_start3A_570] : memref<204800x64xf32, #tpu.memory_space<hbm>> -> memref<128x64xf32, #tpu.memory_space<hbm>>
      %dma_start3A_572 = tpu.memref_slice %arg9[%dma_start3A_565] : memref<10x!tpu.dma_semaphore, #tpu.memory_space<semaphore_mem>> -> memref<1x!tpu.dma_semaphore, #tpu.memory_space<semaphore_mem>>
      %dma_start3A_573 = tpu.memref_squeeze %dma_start3A_572 : memref<1x!tpu.dma_semaphore, #tpu.memory_space<semaphore_mem>> -> memref<!tpu.dma_semaphore, #tpu.memory_space<semaphore_mem>>
      %dma_start3A_574 = arith.constant 0 : i32
      %dma_start3A_575 = tpu.memref_slice %arg4[%add3A_563, %dma_start3A_574] : memref<204800x64xf32, #tpu.memory_space<hbm>> -> memref<128x64xf32, #tpu.memory_space<hbm>>
      %dma_start3A_576 = arith.constant 0 : i32
      %dma_start3A_577 = arith.constant 0 : i32
      %dma_start3A_578 = tpu.memref_slice %arg7[%dma_start3A_564, %dma_start3A_576, %dma_start3A_577] : memref<10x128x64xf32, #tpu.memory_space<vmem>> -> memref<1x128x64xf32, #tpu.memory_space<vmem>>
      %dma_start3A_579 = tpu.memref_squeeze %dma_start3A_578 : memref<1x128x64xf32, #tpu.memory_space<vmem>> -> memref<128x64xf32, #tpu.memory_space<vmem>>
      tpu.enqueue_dma source(%dma_start3A_579 : memref<128x64xf32, #tpu.memory_space<vmem>>) target(%dma_start3A_575 : memref<128x64xf32, #tpu.memory_space<hbm>>) target_semaphore(%dma_start3A_573 : memref<!tpu.dma_semaphore, #tpu.memory_space<semaphore_mem>>)
      %add3A_580 = arith.constant 9 : i32
      %add3A_581 = arith.addi %add3A_176, %add3A_580 : i32
      %lt3A_582 = arith.constant 40 : i32
      %lt3A_583 = arith.cmpi slt, %add3A_176, %lt3A_582 : i32
      %convert_element_type3A_584 = arith.extui %lt3A_583 : i1 to i32
      %cond3A_585 = arith.constant 0 : i32
      %cond3A_586 = arith.cmpi ne, %convert_element_type3A_584, %cond3A_585 : i32
      scf.if %cond3A_586 {
        %sub3A = arith.constant 5 : i32
        %sub3A_625 = arith.subi %add3A_581, %sub3A : i32
        %mul3A_626 = arith.constant 128 : i32
        %mul3A_627 = arith.muli %sub3A_625, %mul3A_626 : i32
        %add3A_628 = arith.addi %mul3A_2, %mul3A_627 : i32
        %dma_wait3A_629 = arith.constant 4 : i32
        %dma_wait3A_630 = arith.constant 4 : i32
        %dma_wait3A_631 = arith.constant 0 : i32
        %dma_wait3A_632 = arith.constant 0 : i32
        %dma_wait3A_633 = tpu.memref_slice %arg7[%dma_wait3A_629, %dma_wait3A_631, %dma_wait3A_632] : memref<10x128x64xf32, #tpu.memory_space<vmem>> -> memref<1x128x64xf32, #tpu.memory_space<vmem>>
        %dma_wait3A_634 = tpu.memref_squeeze %dma_wait3A_633 : memref<1x128x64xf32, #tpu.memory_space<vmem>> -> memref<128x64xf32, #tpu.memory_space<vmem>>
        %dma_wait3A_635 = arith.constant 0 : i32
        %dma_wait3A_636 = tpu.memref_slice %arg4[%add3A_628, %dma_wait3A_635] : memref<204800x64xf32, #tpu.memory_space<hbm>> -> memref<128x64xf32, #tpu.memory_space<hbm>>
        %dma_wait3A_637 = tpu.memref_slice %arg9[%dma_wait3A_630] : memref<10x!tpu.dma_semaphore, #tpu.memory_space<semaphore_mem>> -> memref<1x!tpu.dma_semaphore, #tpu.memory_space<semaphore_mem>>
        %dma_wait3A_638 = tpu.memref_squeeze %dma_wait3A_637 : memref<1x!tpu.dma_semaphore, #tpu.memory_space<semaphore_mem>> -> memref<!tpu.dma_semaphore, #tpu.memory_space<semaphore_mem>>
        %dma_wait3A_639 = arith.constant 0 : i32
        %dma_wait3A_640 = tpu.memref_slice %arg4[%add3A_628, %dma_wait3A_639] : memref<204800x64xf32, #tpu.memory_space<hbm>> -> memref<128x64xf32, #tpu.memory_space<hbm>>
        %dma_wait3A_641 = arith.constant 0 : i32
        %dma_wait3A_642 = arith.constant 0 : i32
        %dma_wait3A_643 = tpu.memref_slice %arg7[%dma_wait3A_629, %dma_wait3A_641, %dma_wait3A_642] : memref<10x128x64xf32, #tpu.memory_space<vmem>> -> memref<1x128x64xf32, #tpu.memory_space<vmem>>
        %dma_wait3A_644 = tpu.memref_squeeze %dma_wait3A_643 : memref<1x128x64xf32, #tpu.memory_space<vmem>> -> memref<128x64xf32, #tpu.memory_space<vmem>>
        tpu.wait_dma2 semaphore(%dma_wait3A_638 : memref<!tpu.dma_semaphore, #tpu.memory_space<semaphore_mem>>) src(%dma_wait3A_644 : memref<128x64xf32, #tpu.memory_space<vmem>>) dst(%dma_wait3A_640 : memref<128x64xf32, #tpu.memory_space<hbm>>)
        %add3A_645 = arith.constant 5 : i32
        %add3A_646 = arith.addi %add3A_581, %add3A_645 : i32
        %dma_start3A_647 = arith.constant 4 : i32
        %dma_start3A_648 = arith.constant 4 : i32
        %dma_start3A_649 = arith.constant 0 : i32
        %dma_start3A_650 = arith.constant 0 : i32
        %dma_start3A_651 = tpu.memref_slice %arg7[%dma_start3A_647, %dma_start3A_649, %dma_start3A_650] : memref<10x128x64xf32, #tpu.memory_space<vmem>> -> memref<1x128x64xf32, #tpu.memory_space<vmem>>
        %dma_start3A_652 = tpu.memref_squeeze %dma_start3A_651 : memref<1x128x64xf32, #tpu.memory_space<vmem>> -> memref<128x64xf32, #tpu.memory_space<vmem>>
        %dma_start3A_653 = arith.constant 0 : i32
        %dma_start3A_654 = tpu.memref_slice %arg5[%add3A_646, %dma_start3A_653] : memref<50x128xi32, #tpu.memory_space<vmem>> -> memref<1x128xi32, #tpu.memory_space<vmem>>
        %dma_start3A_655 = tpu.memref_squeeze %dma_start3A_654 : memref<1x128xi32, #tpu.memory_space<vmem>> -> memref<128xi32, #tpu.memory_space<vmem>>
        %dma_start3A_656 = arith.constant 0 : i32
        %dma_start3A_657 = arith.constant 0 : i32
        %dma_start3A_658 = tpu.memref_slice %arg6[%dma_start3A_656, %dma_start3A_657] : memref<1000x64xf32, #tpu.memory_space<vmem_shared>> -> memref<1000x64xf32, #tpu.memory_space<vmem_shared>>
        %dma_start3A_659 = tpu.memref_slice %arg8[%dma_start3A_648] : memref<10x!tpu.dma_semaphore, #tpu.memory_space<semaphore_mem>> -> memref<1x!tpu.dma_semaphore, #tpu.memory_space<semaphore_mem>>
        %dma_start3A_660 = tpu.memref_squeeze %dma_start3A_659 : memref<1x!tpu.dma_semaphore, #tpu.memory_space<semaphore_mem>> -> memref<!tpu.dma_semaphore, #tpu.memory_space<semaphore_mem>>
        tpu.enqueue_indirect_dma source(%dma_start3A_658 : memref<1000x64xf32, #tpu.memory_space<vmem_shared>>) target(%dma_start3A_652 : memref<128x64xf32, #tpu.memory_space<vmem>>) offsets(%dma_start3A_655 : memref<128xi32, #tpu.memory_space<vmem>>) semaphore(%dma_start3A_660 : memref<!tpu.dma_semaphore, #tpu.memory_space<semaphore_mem>>)
      } else {
      }
      %eq3A_587 = arith.constant 40 : i32
      %eq3A_588 = arith.cmpi eq, %add3A_176, %eq3A_587 : i32
      %convert_element_type3A_589 = arith.extui %eq3A_588 : i1 to i32
      %cond3A_590 = arith.constant 0 : i32
      %cond3A_591 = arith.cmpi ne, %convert_element_type3A_589, %cond3A_590 : i32
      scf.if %cond3A_591 {
        %sub3A = arith.constant 5 : i32
        %sub3A_625 = arith.subi %add3A_581, %sub3A : i32
        %mul3A_626 = arith.constant 128 : i32
        %mul3A_627 = arith.muli %sub3A_625, %mul3A_626 : i32
        %add3A_628 = arith.addi %mul3A_2, %mul3A_627 : i32
        %dma_wait3A_629 = arith.constant 4 : i32
        %dma_wait3A_630 = arith.constant 4 : i32
        %dma_wait3A_631 = arith.constant 0 : i32
        %dma_wait3A_632 = arith.constant 0 : i32
        %dma_wait3A_633 = tpu.memref_slice %arg7[%dma_wait3A_629, %dma_wait3A_631, %dma_wait3A_632] : memref<10x128x64xf32, #tpu.memory_space<vmem>> -> memref<1x128x64xf32, #tpu.memory_space<vmem>>
        %dma_wait3A_634 = tpu.memref_squeeze %dma_wait3A_633 : memref<1x128x64xf32, #tpu.memory_space<vmem>> -> memref<128x64xf32, #tpu.memory_space<vmem>>
        %dma_wait3A_635 = arith.constant 0 : i32
        %dma_wait3A_636 = tpu.memref_slice %arg4[%add3A_628, %dma_wait3A_635] : memref<204800x64xf32, #tpu.memory_space<hbm>> -> memref<128x64xf32, #tpu.memory_space<hbm>>
        %dma_wait3A_637 = tpu.memref_slice %arg9[%dma_wait3A_630] : memref<10x!tpu.dma_semaphore, #tpu.memory_space<semaphore_mem>> -> memref<1x!tpu.dma_semaphore, #tpu.memory_space<semaphore_mem>>
        %dma_wait3A_638 = tpu.memref_squeeze %dma_wait3A_637 : memref<1x!tpu.dma_semaphore, #tpu.memory_space<semaphore_mem>> -> memref<!tpu.dma_semaphore, #tpu.memory_space<semaphore_mem>>
        %dma_wait3A_639 = arith.constant 0 : i32
        %dma_wait3A_640 = tpu.memref_slice %arg4[%add3A_628, %dma_wait3A_639] : memref<204800x64xf32, #tpu.memory_space<hbm>> -> memref<128x64xf32, #tpu.memory_space<hbm>>
        %dma_wait3A_641 = arith.constant 0 : i32
        %dma_wait3A_642 = arith.constant 0 : i32
        %dma_wait3A_643 = tpu.memref_slice %arg7[%dma_wait3A_629, %dma_wait3A_641, %dma_wait3A_642] : memref<10x128x64xf32, #tpu.memory_space<vmem>> -> memref<1x128x64xf32, #tpu.memory_space<vmem>>
        %dma_wait3A_644 = tpu.memref_squeeze %dma_wait3A_643 : memref<1x128x64xf32, #tpu.memory_space<vmem>> -> memref<128x64xf32, #tpu.memory_space<vmem>>
        tpu.wait_dma2 semaphore(%dma_wait3A_638 : memref<!tpu.dma_semaphore, #tpu.memory_space<semaphore_mem>>) src(%dma_wait3A_644 : memref<128x64xf32, #tpu.memory_space<vmem>>) dst(%dma_wait3A_640 : memref<128x64xf32, #tpu.memory_space<hbm>>)
      } else {
      }
      %dma_wait3A_592 = arith.constant 9 : i32
      %dma_wait3A_593 = arith.constant 9 : i32
      %dma_wait3A_594 = arith.constant 0 : i32
      %dma_wait3A_595 = arith.constant 0 : i32
      %dma_wait3A_596 = tpu.memref_slice %arg7[%dma_wait3A_592, %dma_wait3A_594, %dma_wait3A_595] : memref<10x128x64xf32, #tpu.memory_space<vmem>> -> memref<1x128x64xf32, #tpu.memory_space<vmem>>
      %dma_wait3A_597 = tpu.memref_squeeze %dma_wait3A_596 : memref<1x128x64xf32, #tpu.memory_space<vmem>> -> memref<128x64xf32, #tpu.memory_space<vmem>>
      %dma_wait3A_598 = arith.constant 0 : i32
      %dma_wait3A_599 = tpu.memref_slice %arg5[%add3A_581, %dma_wait3A_598] : memref<50x128xi32, #tpu.memory_space<vmem>> -> memref<1x128xi32, #tpu.memory_space<vmem>>
      %dma_wait3A_600 = tpu.memref_squeeze %dma_wait3A_599 : memref<1x128xi32, #tpu.memory_space<vmem>> -> memref<128xi32, #tpu.memory_space<vmem>>
      %dma_wait3A_601 = arith.constant 0 : i32
      %dma_wait3A_602 = arith.constant 0 : i32
      %dma_wait3A_603 = tpu.memref_slice %arg6[%dma_wait3A_601, %dma_wait3A_602] : memref<1000x64xf32, #tpu.memory_space<vmem_shared>> -> memref<1000x64xf32, #tpu.memory_space<vmem_shared>>
      %dma_wait3A_604 = tpu.memref_slice %arg8[%dma_wait3A_593] : memref<10x!tpu.dma_semaphore, #tpu.memory_space<semaphore_mem>> -> memref<1x!tpu.dma_semaphore, #tpu.memory_space<semaphore_mem>>
      %dma_wait3A_605 = tpu.memref_squeeze %dma_wait3A_604 : memref<1x!tpu.dma_semaphore, #tpu.memory_space<semaphore_mem>> -> memref<!tpu.dma_semaphore, #tpu.memory_space<semaphore_mem>>
      tpu.wait_indirect_dma semaphore(%dma_wait3A_605 : memref<!tpu.dma_semaphore, #tpu.memory_space<semaphore_mem>>) src(%dma_wait3A_603 : memref<1000x64xf32, #tpu.memory_space<vmem_shared>>) dst(%dma_wait3A_597 : memref<128x64xf32, #tpu.memory_space<vmem>>)
      %mul3A_606 = arith.constant 128 : i32
      %mul3A_607 = arith.muli %add3A_581, %mul3A_606 : i32
      %add3A_608 = arith.addi %mul3A_2, %mul3A_607 : i32
      %dma_start3A_609 = arith.constant 9 : i32
      %dma_start3A_610 = arith.constant 9 : i32
      %dma_start3A_611 = arith.constant 0 : i32
      %dma_start3A_612 = arith.constant 0 : i32
      %dma_start3A_613 = tpu.memref_slice %arg7[%dma_start3A_609, %dma_start3A_611, %dma_start3A_612] : memref<10x128x64xf32, #tpu.memory_space<vmem>> -> memref<1x128x64xf32, #tpu.memory_space<vmem>>
      %dma_start3A_614 = tpu.memref_squeeze %dma_start3A_613 : memref<1x128x64xf32, #tpu.memory_space<vmem>> -> memref<128x64xf32, #tpu.memory_space<vmem>>
      %dma_start3A_615 = arith.constant 0 : i32
      %dma_start3A_616 = tpu.memref_slice %arg4[%add3A_608, %dma_start3A_615] : memref<204800x64xf32, #tpu.memory_space<hbm>> -> memref<128x64xf32, #tpu.memory_space<hbm>>
      %dma_start3A_617 = tpu.memref_slice %arg9[%dma_start3A_610] : memref<10x!tpu.dma_semaphore, #tpu.memory_space<semaphore_mem>> -> memref<1x!tpu.dma_semaphore, #tpu.memory_space<semaphore_mem>>
      %dma_start3A_618 = tpu.memref_squeeze %dma_start3A_617 : memref<1x!tpu.dma_semaphore, #tpu.memory_space<semaphore_mem>> -> memref<!tpu.dma_semaphore, #tpu.memory_space<semaphore_mem>>
      %dma_start3A_619 = arith.constant 0 : i32
      %dma_start3A_620 = tpu.memref_slice %arg4[%add3A_608, %dma_start3A_619] : memref<204800x64xf32, #tpu.memory_space<hbm>> -> memref<128x64xf32, #tpu.memory_space<hbm>>
      %dma_start3A_621 = arith.constant 0 : i32
      %dma_start3A_622 = arith.constant 0 : i32
      %dma_start3A_623 = tpu.memref_slice %arg7[%dma_start3A_609, %dma_start3A_621, %dma_start3A_622] : memref<10x128x64xf32, #tpu.memory_space<vmem>> -> memref<1x128x64xf32, #tpu.memory_space<vmem>>
      %dma_start3A_624 = tpu.memref_squeeze %dma_start3A_623 : memref<1x128x64xf32, #tpu.memory_space<vmem>> -> memref<128x64xf32, #tpu.memory_space<vmem>>
      tpu.enqueue_dma source(%dma_start3A_624 : memref<128x64xf32, #tpu.memory_space<vmem>>) target(%dma_start3A_620 : memref<128x64xf32, #tpu.memory_space<hbm>>) target_semaphore(%dma_start3A_618 : memref<!tpu.dma_semaphore, #tpu.memory_space<semaphore_mem>>)
    }
    %scan3A_82 = arith.constant 5 : i32
    %add3A_83 = arith.constant 5760 : i32
    %add3A_84 = arith.addi %mul3A_2, %add3A_83 : i32
    %dma_wait3A = arith.constant 5 : i32
    %dma_wait3A_85 = arith.constant 5 : i32
    %dma_wait3A_86 = arith.constant 0 : i32
    %dma_wait3A_87 = arith.constant 0 : i32
    %dma_wait3A_88 = tpu.memref_slice %arg7[%dma_wait3A, %dma_wait3A_86, %dma_wait3A_87] : memref<10x128x64xf32, #tpu.memory_space<vmem>> -> memref<1x128x64xf32, #tpu.memory_space<vmem>>
    %dma_wait3A_89 = tpu.memref_squeeze %dma_wait3A_88 : memref<1x128x64xf32, #tpu.memory_space<vmem>> -> memref<128x64xf32, #tpu.memory_space<vmem>>
    %dma_wait3A_90 = arith.constant 0 : i32
    %dma_wait3A_91 = tpu.memref_slice %arg4[%add3A_84, %dma_wait3A_90] : memref<204800x64xf32, #tpu.memory_space<hbm>> -> memref<128x64xf32, #tpu.memory_space<hbm>>
    %dma_wait3A_92 = tpu.memref_slice %arg9[%dma_wait3A_85] : memref<10x!tpu.dma_semaphore, #tpu.memory_space<semaphore_mem>> -> memref<1x!tpu.dma_semaphore, #tpu.memory_space<semaphore_mem>>
    %dma_wait3A_93 = tpu.memref_squeeze %dma_wait3A_92 : memref<1x!tpu.dma_semaphore, #tpu.memory_space<semaphore_mem>> -> memref<!tpu.dma_semaphore, #tpu.memory_space<semaphore_mem>>
    %dma_wait3A_94 = arith.constant 0 : i32
    %dma_wait3A_95 = tpu.memref_slice %arg4[%add3A_84, %dma_wait3A_94] : memref<204800x64xf32, #tpu.memory_space<hbm>> -> memref<128x64xf32, #tpu.memory_space<hbm>>
    %dma_wait3A_96 = arith.constant 0 : i32
    %dma_wait3A_97 = arith.constant 0 : i32
    %dma_wait3A_98 = tpu.memref_slice %arg7[%dma_wait3A, %dma_wait3A_96, %dma_wait3A_97] : memref<10x128x64xf32, #tpu.memory_space<vmem>> -> memref<1x128x64xf32, #tpu.memory_space<vmem>>
    %dma_wait3A_99 = tpu.memref_squeeze %dma_wait3A_98 : memref<1x128x64xf32, #tpu.memory_space<vmem>> -> memref<128x64xf32, #tpu.memory_space<vmem>>
    tpu.wait_dma2 semaphore(%dma_wait3A_93 : memref<!tpu.dma_semaphore, #tpu.memory_space<semaphore_mem>>) src(%dma_wait3A_99 : memref<128x64xf32, #tpu.memory_space<vmem>>) dst(%dma_wait3A_95 : memref<128x64xf32, #tpu.memory_space<hbm>>)
    %add3A_100 = arith.constant 5888 : i32
    %add3A_101 = arith.addi %mul3A_2, %add3A_100 : i32
    %dma_wait3A_102 = arith.constant 6 : i32
    %dma_wait3A_103 = arith.constant 6 : i32
    %dma_wait3A_104 = arith.constant 0 : i32
    %dma_wait3A_105 = arith.constant 0 : i32
    %dma_wait3A_106 = tpu.memref_slice %arg7[%dma_wait3A_102, %dma_wait3A_104, %dma_wait3A_105] : memref<10x128x64xf32, #tpu.memory_space<vmem>> -> memref<1x128x64xf32, #tpu.memory_space<vmem>>
    %dma_wait3A_107 = tpu.memref_squeeze %dma_wait3A_106 : memref<1x128x64xf32, #tpu.memory_space<vmem>> -> memref<128x64xf32, #tpu.memory_space<vmem>>
    %dma_wait3A_108 = arith.constant 0 : i32
    %dma_wait3A_109 = tpu.memref_slice %arg4[%add3A_101, %dma_wait3A_108] : memref<204800x64xf32, #tpu.memory_space<hbm>> -> memref<128x64xf32, #tpu.memory_space<hbm>>
    %dma_wait3A_110 = tpu.memref_slice %arg9[%dma_wait3A_103] : memref<10x!tpu.dma_semaphore, #tpu.memory_space<semaphore_mem>> -> memref<1x!tpu.dma_semaphore, #tpu.memory_space<semaphore_mem>>
    %dma_wait3A_111 = tpu.memref_squeeze %dma_wait3A_110 : memref<1x!tpu.dma_semaphore, #tpu.memory_space<semaphore_mem>> -> memref<!tpu.dma_semaphore, #tpu.memory_space<semaphore_mem>>
    %dma_wait3A_112 = arith.constant 0 : i32
    %dma_wait3A_113 = tpu.memref_slice %arg4[%add3A_101, %dma_wait3A_112] : memref<204800x64xf32, #tpu.memory_space<hbm>> -> memref<128x64xf32, #tpu.memory_space<hbm>>
    %dma_wait3A_114 = arith.constant 0 : i32
    %dma_wait3A_115 = arith.constant 0 : i32
    %dma_wait3A_116 = tpu.memref_slice %arg7[%dma_wait3A_102, %dma_wait3A_114, %dma_wait3A_115] : memref<10x128x64xf32, #tpu.memory_space<vmem>> -> memref<1x128x64xf32, #tpu.memory_space<vmem>>
    %dma_wait3A_117 = tpu.memref_squeeze %dma_wait3A_116 : memref<1x128x64xf32, #tpu.memory_space<vmem>> -> memref<128x64xf32, #tpu.memory_space<vmem>>
    tpu.wait_dma2 semaphore(%dma_wait3A_111 : memref<!tpu.dma_semaphore, #tpu.memory_space<semaphore_mem>>) src(%dma_wait3A_117 : memref<128x64xf32, #tpu.memory_space<vmem>>) dst(%dma_wait3A_113 : memref<128x64xf32, #tpu.memory_space<hbm>>)
    %add3A_118 = arith.constant 6016 : i32
    %add3A_119 = arith.addi %mul3A_2, %add3A_118 : i32
    %dma_wait3A_120 = arith.constant 7 : i32
    %dma_wait3A_121 = arith.constant 7 : i32
    %dma_wait3A_122 = arith.constant 0 : i32
    %dma_wait3A_123 = arith.constant 0 : i32
    %dma_wait3A_124 = tpu.memref_slice %arg7[%dma_wait3A_120, %dma_wait3A_122, %dma_wait3A_123] : memref<10x128x64xf32, #tpu.memory_space<vmem>> -> memref<1x128x64xf32, #tpu.memory_space<vmem>>
    %dma_wait3A_125 = tpu.memref_squeeze %dma_wait3A_124 : memref<1x128x64xf32, #tpu.memory_space<vmem>> -> memref<128x64xf32, #tpu.memory_space<vmem>>
    %dma_wait3A_126 = arith.constant 0 : i32
    %dma_wait3A_127 = tpu.memref_slice %arg4[%add3A_119, %dma_wait3A_126] : memref<204800x64xf32, #tpu.memory_space<hbm>> -> memref<128x64xf32, #tpu.memory_space<hbm>>
    %dma_wait3A_128 = tpu.memref_slice %arg9[%dma_wait3A_121] : memref<10x!tpu.dma_semaphore, #tpu.memory_space<semaphore_mem>> -> memref<1x!tpu.dma_semaphore, #tpu.memory_space<semaphore_mem>>
    %dma_wait3A_129 = tpu.memref_squeeze %dma_wait3A_128 : memref<1x!tpu.dma_semaphore, #tpu.memory_space<semaphore_mem>> -> memref<!tpu.dma_semaphore, #tpu.memory_space<semaphore_mem>>
    %dma_wait3A_130 = arith.constant 0 : i32
    %dma_wait3A_131 = tpu.memref_slice %arg4[%add3A_119, %dma_wait3A_130] : memref<204800x64xf32, #tpu.memory_space<hbm>> -> memref<128x64xf32, #tpu.memory_space<hbm>>
    %dma_wait3A_132 = arith.constant 0 : i32
    %dma_wait3A_133 = arith.constant 0 : i32
    %dma_wait3A_134 = tpu.memref_slice %arg7[%dma_wait3A_120, %dma_wait3A_132, %dma_wait3A_133] : memref<10x128x64xf32, #tpu.memory_space<vmem>> -> memref<1x128x64xf32, #tpu.memory_space<vmem>>
    %dma_wait3A_135 = tpu.memref_squeeze %dma_wait3A_134 : memref<1x128x64xf32, #tpu.memory_space<vmem>> -> memref<128x64xf32, #tpu.memory_space<vmem>>
    tpu.wait_dma2 semaphore(%dma_wait3A_129 : memref<!tpu.dma_semaphore, #tpu.memory_space<semaphore_mem>>) src(%dma_wait3A_135 : memref<128x64xf32, #tpu.memory_space<vmem>>) dst(%dma_wait3A_131 : memref<128x64xf32, #tpu.memory_space<hbm>>)
    %add3A_136 = arith.constant 6144 : i32
    %add3A_137 = arith.addi %mul3A_2, %add3A_136 : i32
    %dma_wait3A_138 = arith.constant 8 : i32
    %dma_wait3A_139 = arith.constant 8 : i32
    %dma_wait3A_140 = arith.constant 0 : i32
    %dma_wait3A_141 = arith.constant 0 : i32
    %dma_wait3A_142 = tpu.memref_slice %arg7[%dma_wait3A_138, %dma_wait3A_140, %dma_wait3A_141] : memref<10x128x64xf32, #tpu.memory_space<vmem>> -> memref<1x128x64xf32, #tpu.memory_space<vmem>>
    %dma_wait3A_143 = tpu.memref_squeeze %dma_wait3A_142 : memref<1x128x64xf32, #tpu.memory_space<vmem>> -> memref<128x64xf32, #tpu.memory_space<vmem>>
    %dma_wait3A_144 = arith.constant 0 : i32
    %dma_wait3A_145 = tpu.memref_slice %arg4[%add3A_137, %dma_wait3A_144] : memref<204800x64xf32, #tpu.memory_space<hbm>> -> memref<128x64xf32, #tpu.memory_space<hbm>>
    %dma_wait3A_146 = tpu.memref_slice %arg9[%dma_wait3A_139] : memref<10x!tpu.dma_semaphore, #tpu.memory_space<semaphore_mem>> -> memref<1x!tpu.dma_semaphore, #tpu.memory_space<semaphore_mem>>
    %dma_wait3A_147 = tpu.memref_squeeze %dma_wait3A_146 : memref<1x!tpu.dma_semaphore, #tpu.memory_space<semaphore_mem>> -> memref<!tpu.dma_semaphore, #tpu.memory_space<semaphore_mem>>
    %dma_wait3A_148 = arith.constant 0 : i32
    %dma_wait3A_149 = tpu.memref_slice %arg4[%add3A_137, %dma_wait3A_148] : memref<204800x64xf32, #tpu.memory_space<hbm>> -> memref<128x64xf32, #tpu.memory_space<hbm>>
    %dma_wait3A_150 = arith.constant 0 : i32
    %dma_wait3A_151 = arith.constant 0 : i32
    %dma_wait3A_152 = tpu.memref_slice %arg7[%dma_wait3A_138, %dma_wait3A_150, %dma_wait3A_151] : memref<10x128x64xf32, #tpu.memory_space<vmem>> -> memref<1x128x64xf32, #tpu.memory_space<vmem>>
    %dma_wait3A_153 = tpu.memref_squeeze %dma_wait3A_152 : memref<1x128x64xf32, #tpu.memory_space<vmem>> -> memref<128x64xf32, #tpu.memory_space<vmem>>
    tpu.wait_dma2 semaphore(%dma_wait3A_147 : memref<!tpu.dma_semaphore, #tpu.memory_space<semaphore_mem>>) src(%dma_wait3A_153 : memref<128x64xf32, #tpu.memory_space<vmem>>) dst(%dma_wait3A_149 : memref<128x64xf32, #tpu.memory_space<hbm>>)
    %add3A_154 = arith.constant 6272 : i32
    %add3A_155 = arith.addi %mul3A_2, %add3A_154 : i32
    %dma_wait3A_156 = arith.constant 9 : i32
    %dma_wait3A_157 = arith.constant 9 : i32
    %dma_wait3A_158 = arith.constant 0 : i32
    %dma_wait3A_159 = arith.constant 0 : i32
    %dma_wait3A_160 = tpu.memref_slice %arg7[%dma_wait3A_156, %dma_wait3A_158, %dma_wait3A_159] : memref<10x128x64xf32, #tpu.memory_space<vmem>> -> memref<1x128x64xf32, #tpu.memory_space<vmem>>
    %dma_wait3A_161 = tpu.memref_squeeze %dma_wait3A_160 : memref<1x128x64xf32, #tpu.memory_space<vmem>> -> memref<128x64xf32, #tpu.memory_space<vmem>>
    %dma_wait3A_162 = arith.constant 0 : i32
    %dma_wait3A_163 = tpu.memref_slice %arg4[%add3A_155, %dma_wait3A_162] : memref<204800x64xf32, #tpu.memory_space<hbm>> -> memref<128x64xf32, #tpu.memory_space<hbm>>
    %dma_wait3A_164 = tpu.memref_slice %arg9[%dma_wait3A_157] : memref<10x!tpu.dma_semaphore, #tpu.memory_space<semaphore_mem>> -> memref<1x!tpu.dma_semaphore, #tpu.memory_space<semaphore_mem>>
    %dma_wait3A_165 = tpu.memref_squeeze %dma_wait3A_164 : memref<1x!tpu.dma_semaphore, #tpu.memory_space<semaphore_mem>> -> memref<!tpu.dma_semaphore, #tpu.memory_space<semaphore_mem>>
    %dma_wait3A_166 = arith.constant 0 : i32
    %dma_wait3A_167 = tpu.memref_slice %arg4[%add3A_155, %dma_wait3A_166] : memref<204800x64xf32, #tpu.memory_space<hbm>> -> memref<128x64xf32, #tpu.memory_space<hbm>>
    %dma_wait3A_168 = arith.constant 0 : i32
    %dma_wait3A_169 = arith.constant 0 : i32
    %dma_wait3A_170 = tpu.memref_slice %arg7[%dma_wait3A_156, %dma_wait3A_168, %dma_wait3A_169] : memref<10x128x64xf32, #tpu.memory_space<vmem>> -> memref<1x128x64xf32, #tpu.memory_space<vmem>>
    %dma_wait3A_171 = tpu.memref_squeeze %dma_wait3A_170 : memref<1x128x64xf32, #tpu.memory_space<vmem>> -> memref<128x64xf32, #tpu.memory_space<vmem>>
    tpu.wait_dma2 semaphore(%dma_wait3A_165 : memref<!tpu.dma_semaphore, #tpu.memory_space<semaphore_mem>>) src(%dma_wait3A_171 : memref<128x64xf32, #tpu.memory_space<vmem>>) dst(%dma_wait3A_167 : memref<128x64xf32, #tpu.memory_space<hbm>>)
    return
  }
}

</mosaic_0001>

<sc_bundles>
// kernel: _lookup.3.cloned.1.call-start
scs
__scs_entry_jumppad:
0x0: {  	(pc) =	sbr.rel $0x88, $3  }
0x1: {  	(tag) =	ssettag $0x0;
	lr =	simm.s32 $0x1  }
0x2: {  	[smem:$0x3F9F] =	sst lr;
	_ =	strace $0xD0000000  }
0x3: {  	_ = 	snop  }
0x4: {  	_ = 	snop  }
0x5: {  	_ = 	snop  }
0x6: {  	_ = 	snop  }
0x7: {  	_ = 	snop  }
__scs_overlays_trampoline_lowered:
0x8: {  	[smem:$0x3FAE] =	sst s0  }
0x9: {  	[smem:$0x3FAF] =	sst s1  }
0xa: {  	[smem:$0x3FB0] =	sst s2  }
0xb: {  	[smem:$0x3FB1] =	sst s3  }
0xc: {  	[smem:$0x3FB2] =	sst s4  }
0xd: {  	[smem:$0x3FB3] =	sst s5  }
0xe: {  	[smem:$0x3FB4] =	sst s6  }
0xf: {  	[smem:$0x3FB5] =	sst s7  }
0x10: {  	[smem:$0x3FB6] =	sst s8  }
0x11: {  	[smem:$0x3FB7] =	sst s9;
	s0 =	simm.s32 @!p0 $0x0  }
0x12: {  	s1 =	sld [smem:$0x3F9D];
	s0 =	simm.s32 @p0 $0x1  }
0x13: {  	[smem:$0x3FB8] =	sst s0;
	s0 =	simm.s32 @!p1 $0x0  }
0x14: {  	s2 =	sld [smem:$0x3F9C];
	s0 =	simm.s32 @p1 $0x1  }
0x15: {  	[smem:$0x3FB9] =	sst s0;
	s0 =	simm.s32 @!p2 $0x0  }
0x16: {  	s3 =	sld [smem:$0x3FDB];
	s0 =	simm.s32 @p2 $0x1  }
0x17: {  	s4 =	simm.s32 $0x1BF5;
	[smem:$0x3FBB] =	sst s0  }
0x18: {  	s0 =	sld [smem:$0x3F9E];
	_ =	swait.ge [sflag:s4], $0x0  }
0x19: {  	s7 =	sld [smem:$0x3F9F]  }
0x1a: {  	s8 =	sadd.s32 $0xFFFFE003, lr  }
0x1b: {  	s9 =	sadd.s32 $0xFFFFFEF7, lr;
	s5 =	simm.s32 $0xFFFFFFFF;
	p2 =	slt.u32 s8, $0xFFFFF086  }
0x1c: {  	p1 =	slt.u32 s9, $0xF7A;
	s5 =	simm.s32 @!p2 $0x0  }
0x1d: {  	s5 =	simm.s32 @p1 $0x1;
	p0 =	seq.s32 s7, s2  }
0x1e: {  	s7 =	smul.u32 @!p0 $0xF7A, s2;
	p2 =	seq.s32 @!p0 s5, $0x0  }
0x1f: {  	s9 =	smul.u32 $0xF7A, s1;
	s8 =	simm.s32 @!p0 $0x1BF5;
	p2 =	por !p2, p0  }
0x20: {  	[sflag:s8] =	ssyncset.s32 @!p0 $0xFFFFF086;
	s6 =	sadd.s32 @!p0 s3, s7;
	s7 =	simm.s32 @!p0 $0x108  }
0x21: {  	s3 =	sadd.s32 s3, s9;
	s6 =	sadd.s32 @!p0 $0x88, s6;
	s7 =	simm.s32 @p2 $0x1082  }
0x22: {  	[simem:s7], [sflag:s8] =	dma.local @!p0 [hbm:s6], $0xF7A  }
0x23: {  	s9 =	sor.u32 $0xD0000000, s2;
	s6 =	simm.s32 $0x108;
	_ =	swait.ge @!p0 [sflag:s8], $0x0  }
0x24: {  	s3 =	sadd.s32 $0x88, s3;
	s6 =	simm.s32 @!p1 $0x1082;
	[sflag:s4] =	ssyncset.s32 $0xFFFFF086  }
0x25: {  	[simem:s6], [sflag:s4] =	dma.local [hbm:s3], $0xF7A  }
0x26: {  	[smem:$0x3F9F] =	sst s1;
	(tag) =	ssettag s2;
	_ =	strace s9  }
0x27: {  	s1 =	sld [smem:$0x3FAF]  }
0x28: {  	s2 =	sld [smem:$0x3FB0]  }
0x29: {  	s4 =	sld [smem:$0x3FB2]  }
0x2a: {  	p0 =	seq.s32 s5, $0x0;
	s5 =	sld [smem:$0x3FB3]  }
0x2b: {  	s6 =	sld [smem:$0x3FB4]  }
0x2c: {  	s7 =	sld [smem:$0x3FB5]  }
0x2d: {  	s3 =	simm.s32 $0x108;
	s8 =	sld [smem:$0x3FB6]  }
0x2e: {  	s3 =	simm.s32 @!p0 $0x1082;
	s9 =	sld [smem:$0x3FB7]  }
0x2f: {  	lr =	sadd.s32 s0, s3;
	s0 =	sld [smem:$0x3FAE]  }
0x30: {  	s3 =	sld [smem:$0x3FB1]  }
0x31: {  	[smem:$0x3FBA] =	sst s10  }
0x32: {  	s10 =	sld [smem:$0x3FB8];
	_ =	sdelay $0x3  }
0x33: {  	p0 =	seq.s32 s10, $0x1;
	s10 =	sld [smem:$0x3FBA];
	_ =	sdelay $0x3  }
0x34: {  	[smem:$0x3FBA] =	sst s10  }
0x35: {  	s10 =	sld [smem:$0x3FB9];
	_ =	sdelay $0x3  }
0x36: {  	p1 =	seq.s32 s10, $0x1;
	s10 =	sld [smem:$0x3FBA];
	_ =	sdelay $0x3  }
0x37: {  	[smem:$0x3FBA] =	sst s10  }
0x38: {  	s10 =	sld [smem:$0x3FBB]  }
0x39: {  	_ = 	snop;
	(pc) =	sbr.ind lr, $3  }
0x3a: {  	_ = 	snop  }
0x3b: {  	_ = 	snop  }
0x3c: {  	p2 =	seq.s32 s10, $0x1;
	s10 =	sld [smem:$0x3FBA]  }
0x3d: {  	_ =	shalt  }
0x3e: {  	_ =	shalt  }
0x3f: {  	_ =	shalt  }
0x40: {  	_ =	shalt  }
0x41: {  	_ =	shalt  }
0x42: {  	_ =	shalt  }
0x43: {  	_ =	shalt  }
0x44: {  	_ =	shalt  }
0x45: {  	_ =	shalt  }
0x46: {  	_ =	shalt  }
0x47: {  	_ =	shalt  }
0x48: {  	_ =	shalt  }
0x49: {  	_ =	shalt  }
0x4a: {  	_ =	shalt  }
0x4b: {  	_ =	shalt  }
0x4c: {  	_ =	shalt  }
0x4d: {  	_ =	shalt  }
0x4e: {  	_ =	shalt  }
0x4f: {  	_ =	shalt  }
0x50: {  	_ =	shalt  }
0x51: {  	_ =	shalt  }
0x52: {  	_ =	shalt  }
0x53: {  	_ =	shalt  }
0x54: {  	_ =	shalt  }
0x55: {  	_ =	shalt  }
0x56: {  	_ =	shalt  }
0x57: {  	_ =	shalt  }
0x58: {  	_ =	shalt  }
0x59: {  	_ =	shalt  }
0x5a: {  	_ =	shalt  }
0x5b: {  	_ =	shalt  }
0x5c: {  	_ =	shalt  }
0x5d: {  	_ =	shalt  }
0x5e: {  	_ =	shalt  }
0x5f: {  	_ =	shalt  }
0x60: {  	_ =	shalt  }
0x61: {  	_ =	shalt  }
0x62: {  	_ =	shalt  }
0x63: {  	_ =	shalt  }
0x64: {  	_ =	shalt  }
0x65: {  	_ =	shalt  }
0x66: {  	_ =	shalt  }
0x67: {  	_ =	shalt  }
0x68: {  	_ =	shalt  }
0x69: {  	_ =	shalt  }
0x6a: {  	_ =	shalt  }
0x6b: {  	_ =	shalt  }
0x6c: {  	_ =	shalt  }
0x6d: {  	_ =	shalt  }
0x6e: {  	_ =	shalt  }
0x6f: {  	_ =	shalt  }
0x70: {  	_ =	shalt  }
0x71: {  	_ =	shalt  }
0x72: {  	_ =	shalt  }
0x73: {  	_ =	shalt  }
0x74: {  	_ =	shalt  }
0x75: {  	_ =	shalt  }
0x76: {  	_ =	shalt  }
0x77: {  	_ =	shalt  }
0x78: {  	_ =	shalt  }
0x79: {  	_ =	shalt  }
0x7a: {  	_ =	shalt  }
0x7b: {  	_ =	shalt  }
0x7c: {  	_ =	shalt  }
0x7d: {  	_ =	shalt  }
0x7e: {  	_ =	shalt  }
0x7f: {  	_ =	shalt  }
0x80: {  	_ =	shalt  }
0x81: {  	_ =	shalt  }
0x82: {  	_ =	shalt  }
0x83: {  	_ =	shalt  }
0x84: {  	_ =	shalt  }
0x85: {  	_ =	shalt  }
0x86: {  	_ =	shalt  }
0x87: {  	_ =	shalt  }
.Lfunc_end0:
.L_simem_size_0:
called_computation.1_lowered:
.L_overlay_start_0:
0x88: {  	s2 =	sld [smem:$0x3FD9]  }
0x89: {  	s3 =	sld [smem:$0x3FFE];
	_ =	sdelay $0x1  }
0x8a: {  	s1 =	srdreg.scid  }
0x8b: {  	s0 =	sand.u32 $0x1, s1  }
0x8c: {  	s17 =	sshll.u32 s0, $0xA;
	s2 =	sadd.s32 s3, s2  }
0x8d: {  	s2 =	sadd.s32 s2, s17  }
0x8e: {  	[smem:$0x3FC6] =	sst s2  }
0x8f: {  	_ = 	snop  }
0x90: {  	s2 =	sld [smem:$0x3FD0];
	(tm) =	ssettm $0x1  }
0x91: {  	s18 =	sld [smem:$0x3FFB];
	_ =	sdelay $0x3  }
0x92: {  	_ =	strace s18  }
0x93: {  	s3 =	sld [smem:$0x3FFC];
	_ =	sdelay $0x3  }
0x94: {  	_ =	strace s3  }
0x95: {  	s3 =	sld [smem:$0x3FFD];
	_ =	sdelay $0x3  }
0x96: {  	_ =	strace s3  }
0x97: {  	_ =	strace $0x8FFFFFFF  }
0x98: {  	s19 =	sld [smem:$0x3FDB];
	_ =	sdelay $0x1  }
0x99: {  	s4 =	simm.s32 $_scs_section_size  }
0x9a: {  	s5 =	simm.s32 $_size__tile_overlayer_lowered;
	s6 =	simm.s32 $_tile_overlayer_lowered  }
0x9b: {  	s22 =	simm.s32 $0x1BFF;
	s21 =	sshll.u32 s6, $0x1;
	s3 =	sadd.s32 s4, s19  }
0x9c: {  	s7 =	simm.s32 $0x0;
	s20 =	sshll.u32 s5, $0x1;
	s5 =	sadd.s32 s21, s3  }
0x9d: {  	[timem:s7], [sflag:s22] =	dma.local [hbm:s5], s20  }
0x9e: {  	_ =	swait.ge [sflag:s22], s20  }
0x9f: {  	s4 =	ssub.s32 $0x0, s20;
	[sflag:s22] =	ssyncset.done $0x0  }
0xa0: {  	[sflag:s22] =	ssyncadd.s32 s4;
	_ =	sdelay $0x1  }
0xa1: {  	s23 =	simm.s32 $0x1B8B  }
0xa2: {  	_ =	swait.ge [sflag:s23], $0x1  }
0xa3: {  	[sflag:s23] =	ssyncset.done $0x0  }
0xa4: {  	s25 =	simm.s32 $0x1B8E;
	s24 =	sld [smem:$0x3FFE];
	[sflag:s23] =	ssyncadd.s32 $0xFFFFFFFF  }
0xa5: {  	s26 =	simm.s32 $execute0_lowered;
	[smem:$0x3FD2] =	sst s25  }
0xa6: {  	s5 =	sshll.u32 s26, $0x1;
	_ =	strace $0x80000046;
	[dreg:$0x1] =	wrdreg $0xFFFFFFFF  }
0xa7: {  	s28 =	simm.s32 $_size_execute0_lowered;
	s3 =	sadd.s32 s3, s5;
	[dreg:$0x0] =	wrdreg $0x0  }
0xa8: {  	s5 =	sshll.u32 s28, $0x1;
	[dreg:$0x2] =	wrdreg s3  }
0xa9: {  	[dreg:$0x3] =	wrdreg s5  }
0xaa: {  	[dreg:$0x4] =	wrdreg $0xC0  }
0xab: {  	_ =	task [dreg:s7], $0x5FFFF  }
0xac: {  	[dreg:$0x1] =	wrdreg $0xFFFFFFFF  }
0xad: {  	[dreg:$0x0] =	wrdreg $0x60  }
0xae: {  	[dreg:$0x2] =	wrdreg s24  }
0xaf: {  	[dreg:$0x3] =	wrdreg s2  }
0xb0: {  	[dreg:$0x4] =	wrdreg $0x19000  }
0xb1: {  	[dreg:$0x5] =	wrdreg $0x9  }
0xb2: {  	_ =	task.clear_ibuf [dreg:s7], $0x6FFFF;
	_ =	strace $0x90000046  }
0xb3: {  	s29 =	simm.s32 $0x9;
	_ =	strace $0x80000048  }
0xb4: {  	_ =	swait.ge [sflag:s29], $0x1  }
0xb5: {  	[sflag:s29] =	ssyncadd.s32 $0xFFFFFFFF  }
0xb6: {  	_ =	strace $0x90000048  }
0xb7: {  	_ =	sfence  }
0xb8: {  	s30 =	sld [smem:$0x0];
	_ =	sdelay $0x2  }
0xb9: {  	s31 =	sshll.u32 s1, $0xD;
	s1 =	sshrl.u32 s1, $0x2  }
0xba: {  	s3 =	sand.u32 $0x4000, s31;
	s1 =	sadd.s32 s1, s30  }
0xbb: {  	s0 =	sor.u32 s3, s0;
	s1 =	sshll.u32 s1, $0x11  }
0xbc: {  	s0 =	sor.u32 s1, s0  }
0xbd: {  	s0 =	sadd.s32 $0x8F2B, s0  }
0xbe: {  	[sflag:s0] =	ssyncadd.remote.s32 $0x1  }
0xbf: {  	_ =	sfence.sel $0xFFFF  }
0xc0: {  	[dreg:$0x0] =	wrdreg $0xFFFFFFFF;
	(pc) =	sbr.abs _section_cstart, $3  }
0xc1: {  	[dreg:$0x1] =	wrdreg $0xFFFFFFFF  }
0xc2: {  	_ =	task.clear_ibuf [dreg:s7], $0x2FFFF;
	_ =	strace $0x9FFFFFFF  }
0xc3: {  	(tm) =	ssettm $0x7FFFFFFF  }
tec
execute0_lowered:
.L_overlay_start_1:
0x0: {  	(tag) =	ssettag $0x1  }
0x1: {  	s0 =	srdreg.scid  }
0x2: {  	s3 =	stileid.u32;
	s4 =	rddreg [dreg:$0x0]  }
0x3: {  	s6 =	rddreg [dreg:$0x1];
	s2 =	smul.u32 $0x3200, s3  }
0x4: {  	s28 =	simm.s32 $0xB;
	s0 =	sand.u32 $0x1, s0;
	s22 =	smul.u32 $0x19000, s3  }
0x5: {  	s29 =	simm.s32 $0x6;
	s1 =	sshll.u32 s3, $0x1;
	s5 =	smul.u32 $0x1900, s0  }
0x6: {  	s7 =	sor.u32 s0, s1;
	s16 =	ssub.s32 $0x2, s0;
	s0 =	smul.u32 $0xC800, s0  }
0x7: {  	s30 =	simm.s32 $0xC;
	s1 =	rddreg [dreg:$0x2];
	s7 =	smul.u32 $0x1900, s7  }
0x8: {  	s25 =	sadd.s32 s22, s6;
	s5 =	sadd.s32 s5, s2;
	s2 =	simm.s32 $0x0  }
0x9: {  	p0 =	sne.s32 s3, $0x0;
	s0 =	sadd.s32 s0, s25;
	[smem:$0x7FF] =	sst s2  }
0xa: {  	s5 =	sshll.u32 s5, $0x3;
	s7 =	sshrl.u32 s7, $0x3;
	_ =	strace $0x80000047  }
0xb: {  	s7 =	sadd.s32 s7, s4;
	s4 =	sadd.s32 $0x800, s4;
	[dreg:$0xd] =	wrdreg s0  }
0xc: {  	s5 =	sadd.s32 s5, s6;
	s0 =	sshrl.u32 @!p0 s1, $0x3;
	[dreg:$0xe] =	wrdreg s4  }
0xd: {  	s31 =	simm.s32 $0x7;
	s8 =	sadd.s32 $0x2400, s5;
	[dreg:$0x11] =	wrdreg s0  }
0xe: {  	s11 =	simm.s32 $0x8;
	s15 =	sadd.s32 $0x2000, s5;
	[dreg:$0x4] =	wrdreg s8  }
0xf: {  	s13 =	simm.s32 $0xE;
	s17 =	sadd.s32 $0x1C00, s5;
	[dreg:$0x5] =	wrdreg s15  }
0x10: {  	s3 =	simm.s32 $0xF;
	s18 =	sadd.s32 $0x1800, s5;
	[dreg:$0x6] =	wrdreg s17  }
0x11: {  	s9 =	sshrl.u32 s16, $0x1;
	s7 =	sadd.s32 $0x2800, s7;
	[dreg:$0x7] =	wrdreg s18  }
0x12: {  	s22 =	simm.s32 $0x3;
	s19 =	sadd.s32 $0x1400, s5;
	[dreg:$0xf] =	wrdreg s7  }
0x13: {  	s25 =	simm.s32 $0x108A0;
	s20 =	sadd.s32 $0x1000, s5;
	[dreg:$0x8] =	wrdreg s19  }
0x14: {  	s21 =	sadd.s32 $0xC00, s5;
	s23 =	sadd.s32 $0x800, s5;
	[dreg:$0x9] =	wrdreg s20  }
0x15: {  	s24 =	sadd.s32 $0x400, s5;
	s0 =	simm.s32 $0xD;
	[dreg:$0xa] =	wrdreg s21  }
0x16: {  	s4 =	simm.s32 $0xA;
	s8 =	ssub.s32 s16, s9;
	[dreg:$0xb] =	wrdreg s23  }
0x17: {  	[dreg:$0xc] =	wrdreg s24;
	s24 =	simm.s32 $0x4;
	s18 =	simm.s32 $0x148A0  }
0x18: {  	s15 =	simm.s32 $0x9;
	s7 =	simm.s32 $0x0;
	s20 =	simm.s32 $0x148A0  }
0x19: {  	s21 =	simm.s32 $0xC8A0;
	s23 =	simm.s32 $0xE8A0;
	s26 =	smax.u32 s8, $0x1  }
0x1a: {  	s8 =	simm.s32 $0x80;
	[dreg:$0x10] =	wrdreg s26;
	s26 =	simm.s32 $0x5  }
.LBB2_1:
0x1b: {  	[dreg:$0x12] =	wrdreg s7  }
0x1c: {  	s6 =	rddreg [dreg:$0xe]  }
0x1d: {  	s5 =	simm.s32 @!p0 $0x1C15;
	s7 =	rddreg [dreg:$0x11]  }
0x1e: {  	[spmem:s7], [sflag:s5] =	dma.local @!p0 [hbm:s6], $0x1F40  }
0x1f: {  	s5 =	simm.s32 @!p0 $0x15  }
0x20: {  	_ =	swait.ge @!p0 [sflag:s5], $0x1F40  }
0x21: {  	[sflag:s5] =	ssyncset.done @!p0 $0x0  }
0x22: {  	s12 =	simm.s32 $0x15;
	s10 =	rddreg [dreg:$0xf];
	[sflag:s5] =	ssyncadd.s32 @!p0 $0xFFFFE0C0  }
0x23: {  	[tilespmem:s2], [sflag:$0x15] =	stream.linear.gather [hbm4b:s10+s2], $0x1900, $0x38;
	[tilespmem:$0x168A0] =	vst v63  }
0x24: {  	_ =	swait.ge [sflag:s12], $0x1900  }
0x25: {  	[sflag:s12] =	ssyncset.done $0x0  }
0x26: {  	[sflag:s12] =	ssyncadd.s32 $0xFFFFE700  }
0x27: {  	s9 =	simm.s32 $0x28A0;
	[bflag:$0x0] =	sbarrier.arrive $0xFFFF  }
0x28: {  	[tilespmem:s9], [sflag:$0x1] =	stream.indirect.gather [spmem:s1], $0x40, s2, s8, $0xb8;
	[tilespmem:$0x168A0] =	vst v63  }
0x29: {  	s14 =	simm.s32 $0x100;
	s10 =	simm.s32 $0x48A0  }
0x2a: {  	[tilespmem:s10], [sflag:$0x2] =	stream.indirect.gather [spmem:s1], $0x40, s8, s8, $0xb8;
	[tilespmem:$0x168A0] =	vst v63  }
0x2b: {  	s16 =	simm.s32 $0x180;
	p2 =	por $0x1, $0x1;
	s12 =	simm.s32 $0x68A0  }
0x2c: {  	[tilespmem:s12], [sflag:$0x3] =	stream.indirect.gather [spmem:s1], $0x40, s14, s8, $0xb8;
	[tilespmem:$0x168A0] =	vst v63  }
0x2d: {  	s17 =	simm.s32 $0x200;
	p1 =	por p2, p2;
	s14 =	simm.s32 $0x88A0  }
0x2e: {  	[tilespmem:s14], [sflag:$0x4] =	stream.indirect.gather [spmem:s1], $0x40, s16, s8, $0xb8;
	[tilespmem:$0x168A0] =	vst v63  }
0x2f: {  	s6 =	simm.s32 @!p2 $0x0;
	s5 =	simm.s32 @!p1 $0x10;
	s16 =	simm.s32 $0xA8A0  }
0x30: {  	[tilespmem:s16], [sflag:$0x5] =	stream.indirect.gather [spmem:s1], $0x40, s17, s8, $0xb8;
	[tilespmem:$0x168A0] =	vst v63  }
0x31: {  	s6 =	simm.s32 @p2 $0x0;
	_ =	swait.ge @!p1 [sflag:s5], $0x2000  }
0x32: {  	s19 =	sadd.s32 $0x280, s6;
	[sflag:s5] =	ssyncset.done @!p1 $0x0  }
0x33: {  	s17 =	simm.s32 $0xC8A0;
	[sflag:s5] =	ssyncadd.s32 @!p1 $0xFFFFE000;
	s5 =	simm.s32 $0x1  }
0x34: {  	[tilespmem:s17], [sflag:$0x6] =	stream.indirect.gather [spmem:s1], $0x40, s19, s8, $0xb8;
	[tilespmem:$0x168A0] =	vst v63  }
0x35: {  	_ =	swait.ge [sflag:s5], $0x2000  }
0x36: {  	s19 =	rddreg [dreg:$0xd];
	[sflag:s5] =	ssyncset.done $0x0  }
0x37: {  	s7 =	simm.s32 @!p1 $0x11;
	[sflag:s5] =	ssyncadd.s32 $0xFFFFE000;
	s5 =	sadd.s32 $0x0, s19  }
0x38: {  	[hbm4b:s5+s2] =	stream.linear.scatter [tilespmem:s9], [sflag:$0xB], $0x2000, $0x38;
	[tilespmem:$0x168A0] =	vst v63  }
0x39: {  	_ =	swait.ge @!p1 [sflag:s7], $0x2000  }
0x3a: {  	s19 =	simm.s32 $0xE8A0;
	[sflag:s7] =	ssyncset.done @!p1 $0x0  }
0x3b: {  	s9 =	sadd.s32 $0x300, s6;
	s5 =	simm.s32 $0x2;
	[sflag:s7] =	ssyncadd.s32 @!p1 $0xFFFFE000  }
0x3c: {  	[tilespmem:s19], [sflag:$0x7] =	stream.indirect.gather [spmem:s1], $0x40, s9, s8, $0xb8;
	[tilespmem:$0x168A0] =	vst v63  }
0x3d: {  	_ =	swait.ge [sflag:s5], $0x2000  }
0x3e: {  	s9 =	rddreg [dreg:$0xc];
	[sflag:s5] =	ssyncset.done $0x0  }
0x3f: {  	s7 =	simm.s32 @!p1 $0x12;
	[sflag:s5] =	ssyncadd.s32 $0xFFFFE000;
	s5 =	sadd.s32 $0x0, s9  }
0x40: {  	[hbm4b:s5+s2] =	stream.linear.scatter [tilespmem:s10], [sflag:$0xC], $0x2000, $0x38;
	[tilespmem:$0x168A0] =	vst v63  }
0x41: {  	_ =	swait.ge @!p1 [sflag:s7], $0x2000  }
0x42: {  	[sflag:s7] =	ssyncset.done @!p1 $0x0  }
0x43: {  	s9 =	sadd.s32 $0x380, s6;
	s10 =	simm.s32 $0x108A0;
	[sflag:s7] =	ssyncadd.s32 @!p1 $0xFFFFE000  }
0x44: {  	[tilespmem:s10], [sflag:$0x8] =	stream.indirect.gather [spmem:s1], $0x40, s9, s8, $0xb8;
	[tilespmem:$0x168A0] =	vst v63  }
0x45: {  	_ =	swait.ge [sflag:s22], $0x2000  }
0x46: {  	s7 =	rddreg [dreg:$0xb];
	[sflag:s22] =	ssyncset.done $0x0  }
0x47: {  	[sflag:s22] =	ssyncadd.s32 $0xFFFFE000;
	s5 =	sadd.s32 $0x0, s7;
	s7 =	simm.s32 @!p1 $0x13  }
0x48: {  	[hbm4b:s5+s2] =	stream.linear.scatter [tilespmem:s12], [sflag:$0xD], $0x2000, $0x38;
	[tilespmem:$0x168A0] =	vst v63  }
0x49: {  	_ =	swait.ge @!p1 [sflag:s7], $0x2000  }
0x4a: {  	[sflag:s7] =	ssyncset.done @!p1 $0x0  }
0x4b: {  	s9 =	sadd.s32 $0x400, s6;
	s12 =	simm.s32 $0x128A0;
	[sflag:s7] =	ssyncadd.s32 @!p1 $0xFFFFE000  }
0x4c: {  	[tilespmem:s12], [sflag:$0x9] =	stream.indirect.gather [spmem:s1], $0x40, s9, s8, $0xb8;
	[tilespmem:$0x168A0] =	vst v63  }
0x4d: {  	_ =	swait.ge [sflag:s24], $0x2000  }
0x4e: {  	s7 =	rddreg [dreg:$0xa];
	[sflag:s24] =	ssyncset.done $0x0  }
0x4f: {  	[sflag:s24] =	ssyncadd.s32 $0xFFFFE000;
	s5 =	sadd.s32 $0x0, s7;
	s7 =	simm.s32 @!p1 $0x14  }
0x50: {  	[hbm4b:s5+s2] =	stream.linear.scatter [tilespmem:s14], [sflag:$0xE], $0x2000, $0x38;
	[tilespmem:$0x168A0] =	vst v63  }
0x51: {  	_ =	swait.ge @!p1 [sflag:s7], $0x2000  }
0x52: {  	[sflag:s7] =	ssyncset.done @!p1 $0x0  }
0x53: {  	s9 =	sadd.s32 $0x480, s6;
	[sflag:s7] =	ssyncadd.s32 @!p1 $0xFFFFE000  }
0x54: {  	[tilespmem:s18], [sflag:$0xA] =	stream.indirect.gather [spmem:s1], $0x40, s9, s8, $0xb8;
	[tilespmem:$0x168A0] =	vst v63  }
0x55: {  	_ =	swait.ge [sflag:s26], $0x2000  }
0x56: {  	s14 =	rddreg [dreg:$0x9];
	[sflag:s26] =	ssyncset.done $0x0  }
0x57: {  	[sflag:s26] =	ssyncadd.s32 $0xFFFFE000;
	s5 =	sadd.s32 $0x0, s14  }
0x58: {  	[hbm4b:s5+s2] =	stream.linear.scatter [tilespmem:s16], [sflag:$0xF], $0x2000, $0x38;
	[tilespmem:$0x168A0] =	vst v63  }
0x59: {  	p1 =	por $0x0, $0x0;
	_ =	swait.ge [sflag:s28], $0x2000  }
0x5a: {  	s9 =	simm.s32 @!p1 $0x80;
	[sflag:s28] =	ssyncset.done $0x0  }
0x5b: {  	s6 =	simm.s32 @!p1 $0x28A0;
	s5 =	simm.s32 @!p1 $0x500;
	[sflag:s28] =	ssyncadd.s32 $0xFFFFE000  }
0x5c: {  	[tilespmem:s6], [sflag:$0x1] =	stream.indirect.gather @!p1 [spmem:s1], $0x40, s5, s9, $0xb8;
	[tilespmem:$0x168A0] =	vst v63  }
0x5d: {  	_ =	swait.ge [sflag:s29], $0x2000  }
0x5e: {  	s16 =	rddreg [dreg:$0x8];
	[sflag:s29] =	ssyncset.done $0x0  }
0x5f: {  	[sflag:s29] =	ssyncadd.s32 $0xFFFFE000;
	s5 =	sadd.s32 $0x0, s16  }
0x60: {  	[hbm4b:s5+s2] =	stream.linear.scatter [tilespmem:s17], [sflag:$0x10], $0x2000, $0x38;
	[tilespmem:$0x168A0] =	vst v63  }
0x61: {  	_ =	swait.ge [sflag:s30], $0x2000  }
0x62: {  	[sflag:s30] =	ssyncset.done $0x0  }
0x63: {  	s6 =	simm.s32 @!p1 $0x48A0;
	s5 =	simm.s32 @!p1 $0x580;
	[sflag:s30] =	ssyncadd.s32 $0xFFFFE000  }
0x64: {  	[tilespmem:s6], [sflag:$0x2] =	stream.indirect.gather @!p1 [spmem:s1], $0x40, s5, s9, $0xb8;
	[tilespmem:$0x168A0] =	vst v63  }
0x65: {  	_ =	swait.ge [sflag:s31], $0x2000  }
0x66: {  	s17 =	rddreg [dreg:$0x7];
	[sflag:s31] =	ssyncset.done $0x0  }
0x67: {  	[sflag:s31] =	ssyncadd.s32 $0xFFFFE000;
	s5 =	sadd.s32 $0x0, s17  }
0x68: {  	[hbm4b:s5+s2] =	stream.linear.scatter [tilespmem:s19], [sflag:$0x11], $0x2000, $0x38;
	[tilespmem:$0x168A0] =	vst v63  }
0x69: {  	_ =	swait.ge [sflag:s0], $0x2000  }
0x6a: {  	[sflag:s0] =	ssyncset.done $0x0  }
0x6b: {  	s6 =	simm.s32 @!p1 $0x68A0;
	s5 =	simm.s32 @!p1 $0x600;
	[sflag:s0] =	ssyncadd.s32 $0xFFFFE000  }
0x6c: {  	[tilespmem:s6], [sflag:$0x3] =	stream.indirect.gather @!p1 [spmem:s1], $0x40, s5, s9, $0xb8;
	[tilespmem:$0x168A0] =	vst v63  }
0x6d: {  	_ =	swait.ge [sflag:s11], $0x2000  }
0x6e: {  	s18 =	rddreg [dreg:$0x6];
	[sflag:s11] =	ssyncset.done $0x0  }
0x6f: {  	[sflag:s11] =	ssyncadd.s32 $0xFFFFE000;
	s5 =	sadd.s32 $0x0, s18  }
0x70: {  	[hbm4b:s5+s2] =	stream.linear.scatter [tilespmem:s10], [sflag:$0x12], $0x2000, $0x38;
	[tilespmem:$0x168A0] =	vst v63  }
0x71: {  	_ =	swait.ge [sflag:s13], $0x2000  }
0x72: {  	[sflag:s13] =	ssyncset.done $0x0  }
0x73: {  	s6 =	simm.s32 @!p1 $0x88A0;
	s5 =	simm.s32 @!p1 $0x680;
	[sflag:s13] =	ssyncadd.s32 $0xFFFFE000  }
0x74: {  	[tilespmem:s6], [sflag:$0x4] =	stream.indirect.gather @!p1 [spmem:s1], $0x40, s5, s9, $0xb8;
	[tilespmem:$0x168A0] =	vst v63  }
0x75: {  	_ =	swait.ge [sflag:s15], $0x2000  }
0x76: {  	s19 =	rddreg [dreg:$0x5];
	[sflag:s15] =	ssyncset.done $0x0  }
0x77: {  	p2 =	por $0x0, $0x0;
	[sflag:s15] =	ssyncadd.s32 $0xFFFFE000;
	s5 =	sadd.s32 $0x0, s19  }
0x78: {  	[hbm4b:s5+s2] =	stream.linear.scatter [tilespmem:s12], [sflag:$0x13], $0x2000, $0x38;
	[tilespmem:$0x168A0] =	vst v63  }
0x79: {  	s7 =	simm.s32 @!p2 $0x500;
	_ =	swait.ge [sflag:s3], $0x2000  }
0x7a: {  	s7 =	simm.s32 @p2 $0x0;
	s10 =	simm.s32 $0x700;
	[sflag:s3] =	ssyncset.done $0x0  }
0x7b: {  	s6 =	simm.s32 $0xC00;
	s12 =	simm.s32 @!p1 $0xA8A0;
	[sflag:s3] =	ssyncadd.s32 $0xFFFFE000  }
0x7c: {  	[tilespmem:s12], [sflag:$0x5] =	stream.indirect.gather @!p1 [spmem:s1], $0x40, s10, s9, $0xb8;
	[tilespmem:$0x168A0] =	vst v63  }
0x7d: {  	s5 =	simm.s32 $0x2800;
	s9 =	simm.s32 $0x5000;
	_ =	swait.ge [sflag:s4], $0x2000  }
0x7e: {  	p1 =	por p2, p2;
	s10 =	simm.s32 $0x1100;
	[sflag:s4] =	ssyncset.done $0x0  }
0x7f: {  	s12 =	simm.s32 $0x0;
	s14 =	rddreg [dreg:$0x4];
	[sflag:s4] =	ssyncadd.s32 $0xFFFFE000  }
.LBB2_2:
0x80: {  	s16 =	simm.s32 @!p1 $0x10;
	s14 =	sadd.s32 s12, s14  }
0x81: {  	[hbm4b:s14+s2] =	stream.linear.scatter [tilespmem:s20], [sflag:$0x14], $0x2000, $0x38;
	[tilespmem:$0x168A0] =	vst v63  }
0x82: {  	_ =	swait.ge @!p1 [sflag:s16], $0x2000  }
0x83: {  	[sflag:s16] =	ssyncset.done @!p1 $0x0  }
0x84: {  	s18 =	sadd.s32 $0x280, s7;
	s17 =	simm.s32 $0x1;
	[sflag:s16] =	ssyncadd.s32 @!p1 $0xFFFFE000  }
0x85: {  	[tilespmem:s21], [sflag:$0x6] =	stream.indirect.gather [spmem:s1], $0x40, s18, s8, $0xb8;
	[tilespmem:$0x168A0] =	vst v63  }
0x86: {  	_ =	swait.ge [sflag:s17], $0x2000  }
0x87: {  	[sflag:s17] =	ssyncset.done $0x0  }
0x88: {  	s12 =	smov.u32 s5;
	s19 =	rddreg [dreg:$0xd];
	[sflag:s17] =	ssyncadd.s32 $0xFFFFE000  }
0x89: {  	s16 =	sadd.s32 s12, s19;
	s17 =	simm.s32 @!p1 $0x11;
	s19 =	simm.s32 $0x28A0  }
0x8a: {  	[hbm4b:s16+s2] =	stream.linear.scatter [tilespmem:s19], [sflag:$0xB], $0x2000, $0x38;
	[tilespmem:$0x168A0] =	vst v63  }
0x8b: {  	_ =	swait.ge @!p1 [sflag:s17], $0x2000  }
0x8c: {  	[sflag:s17] =	ssyncset.done @!p1 $0x0  }
0x8d: {  	s18 =	simm.s32 $0x2;
	[sflag:s17] =	ssyncadd.s32 @!p1 $0xFFFFE000;
	s17 =	sadd.s32 $0x300, s7  }
0x8e: {  	[tilespmem:s23], [sflag:$0x7] =	stream.indirect.gather [spmem:s1], $0x40, s17, s8, $0xb8;
	[tilespmem:$0x168A0] =	vst v63  }
0x8f: {  	_ =	swait.ge [sflag:s18], $0x2000  }
0x90: {  	s17 =	simm.s32 @!p1 $0x12;
	s19 =	rddreg [dreg:$0xc];
	[sflag:s18] =	ssyncset.done $0x0  }
0x91: {  	[sflag:s18] =	ssyncadd.s32 $0xFFFFE000;
	s16 =	sadd.s32 s12, s19;
	s18 =	simm.s32 $0x48A0  }
0x92: {  	[hbm4b:s16+s2] =	stream.linear.scatter [tilespmem:s18], [sflag:$0xC], $0x2000, $0x38;
	[tilespmem:$0x168A0] =	vst v63  }
0x93: {  	_ =	swait.ge @!p1 [sflag:s17], $0x2000  }
0x94: {  	[sflag:s17] =	ssyncset.done @!p1 $0x0  }
0x95: {  	s19 =	sadd.s32 $0x380, s7;
	[sflag:s17] =	ssyncadd.s32 @!p1 $0xFFFFE000  }
0x96: {  	[tilespmem:s25], [sflag:$0x8] =	stream.indirect.gather [spmem:s1], $0x40, s19, s8, $0xb8;
	[tilespmem:$0x168A0] =	vst v63  }
0x97: {  	_ =	swait.ge [sflag:s22], $0x2000  }
0x98: {  	s18 =	simm.s32 $0x68A0;
	s17 =	rddreg [dreg:$0xb];
	[sflag:s22] =	ssyncset.done $0x0  }
0x99: {  	[sflag:s22] =	ssyncadd.s32 $0xFFFFE000;
	s16 =	sadd.s32 s12, s17;
	s17 =	simm.s32 @!p1 $0x13  }
0x9a: {  	[hbm4b:s16+s2] =	stream.linear.scatter [tilespmem:s18], [sflag:$0xD], $0x2000, $0x38;
	[tilespmem:$0x168A0] =	vst v63  }
0x9b: {  	_ =	swait.ge @!p1 [sflag:s17], $0x2000  }
0x9c: {  	[sflag:s17] =	ssyncset.done @!p1 $0x0  }
0x9d: {  	s19 =	sadd.s32 $0x400, s7;
	s18 =	simm.s32 $0x128A0;
	[sflag:s17] =	ssyncadd.s32 @!p1 $0xFFFFE000  }
0x9e: {  	[tilespmem:s18], [sflag:$0x9] =	stream.indirect.gather [spmem:s1], $0x40, s19, s8, $0xb8;
	[tilespmem:$0x168A0] =	vst v63  }
0x9f: {  	_ =	swait.ge [sflag:s24], $0x2000  }
0xa0: {  	s19 =	simm.s32 $0x88A0;
	s17 =	rddreg [dreg:$0xa];
	[sflag:s24] =	ssyncset.done $0x0  }
0xa1: {  	[sflag:s24] =	ssyncadd.s32 $0xFFFFE000;
	s16 =	sadd.s32 s12, s17;
	s17 =	simm.s32 @!p1 $0x14  }
0xa2: {  	[hbm4b:s16+s2] =	stream.linear.scatter [tilespmem:s19], [sflag:$0xE], $0x2000, $0x38;
	[tilespmem:$0x168A0] =	vst v63  }
0xa3: {  	_ =	swait.ge @!p1 [sflag:s17], $0x2000  }
0xa4: {  	p3 =	seq.s32 s9, $0x0;
	[sflag:s17] =	ssyncset.done @!p1 $0x0  }
0xa5: {  	s14 =	sadd.s32 @!p3 $0xFFFFF900, s10;
	s19 =	sadd.s32 $0x480, s7;
	[sflag:s17] =	ssyncadd.s32 @!p1 $0xFFFFE000  }
0xa6: {  	[tilespmem:s20], [sflag:$0xA] =	stream.indirect.gather [spmem:s1], $0x40, s19, s8, $0xb8;
	[tilespmem:$0x168A0] =	vst v63  }
0xa7: {  	s14 =	simm.s32 @p3 $0x0;
	_ =	swait.ge [sflag:s26], $0x2000  }
0xa8: {  	s7 =	smov.u32 s14;
	s17 =	rddreg [dreg:$0x9];
	[sflag:s26] =	ssyncset.done $0x0  }
0xa9: {  	s19 =	simm.s32 $0xA8A0;
	[sflag:s26] =	ssyncadd.s32 $0xFFFFE000;
	s14 =	sadd.s32 s12, s17  }
0xaa: {  	[hbm4b:s14+s2] =	stream.linear.scatter [tilespmem:s19], [sflag:$0xF], $0x2000, $0x38;
	[tilespmem:$0x168A0] =	vst v63  }
0xab: {  	p1 =	por p3, p3;
	p3 =	seq.s32 s12, $0xA000;
	_ =	swait.ge [sflag:s28], $0x2000  }
0xac: {  	s16 =	sadd.s32 @!p3 $0xFFFFFE00, s6;
	[sflag:s28] =	ssyncset.done $0x0  }
0xad: {  	s17 =	simm.s32 @!p3 $0x28A0;
	s14 =	simm.s32 @!p3 $0x80;
	[sflag:s28] =	ssyncadd.s32 $0xFFFFE000  }
0xae: {  	[tilespmem:s17], [sflag:$0x1] =	stream.indirect.gather @!p3 [spmem:s1], $0x40, s16, s14, $0xb8;
	[tilespmem:$0x168A0] =	vst v63  }
0xaf: {  	_ =	swait.ge [sflag:s29], $0x2000  }
0xb0: {  	s17 =	rddreg [dreg:$0x8];
	[sflag:s29] =	ssyncset.done $0x0  }
0xb1: {  	[sflag:s29] =	ssyncadd.s32 $0xFFFFE000;
	s16 =	sadd.s32 s12, s17  }
0xb2: {  	[hbm4b:s16+s2] =	stream.linear.scatter [tilespmem:s21], [sflag:$0x10], $0x2000, $0x38;
	[tilespmem:$0x168A0] =	vst v63  }
0xb3: {  	_ =	swait.ge [sflag:s30], $0x2000  }
0xb4: {  	[sflag:s30] =	ssyncset.done $0x0  }
0xb5: {  	s17 =	simm.s32 @!p3 $0x48A0;
	s16 =	sadd.s32 @!p3 $0xFFFFFE80, s6;
	[sflag:s30] =	ssyncadd.s32 $0xFFFFE000  }
0xb6: {  	[tilespmem:s17], [sflag:$0x2] =	stream.indirect.gather @!p3 [spmem:s1], $0x40, s16, s14, $0xb8;
	[tilespmem:$0x168A0] =	vst v63  }
0xb7: {  	_ =	swait.ge [sflag:s31], $0x2000  }
0xb8: {  	s19 =	rddreg [dreg:$0x7];
	[sflag:s31] =	ssyncset.done $0x0  }
0xb9: {  	[sflag:s31] =	ssyncadd.s32 $0xFFFFE000;
	s16 =	sadd.s32 s12, s19  }
0xba: {  	[hbm4b:s16+s2] =	stream.linear.scatter [tilespmem:s23], [sflag:$0x11], $0x2000, $0x38;
	[tilespmem:$0x168A0] =	vst v63  }
0xbb: {  	_ =	swait.ge [sflag:s0], $0x2000  }
0xbc: {  	[sflag:s0] =	ssyncset.done $0x0  }
0xbd: {  	s17 =	simm.s32 @!p3 $0x68A0;
	s16 =	sadd.s32 @!p3 $0xFFFFFF00, s6;
	[sflag:s0] =	ssyncadd.s32 $0xFFFFE000  }
0xbe: {  	[tilespmem:s17], [sflag:$0x3] =	stream.indirect.gather @!p3 [spmem:s1], $0x40, s16, s14, $0xb8;
	[tilespmem:$0x168A0] =	vst v63  }
0xbf: {  	_ =	swait.ge [sflag:s11], $0x2000  }
0xc0: {  	s17 =	rddreg [dreg:$0x6];
	[sflag:s11] =	ssyncset.done $0x0  }
0xc1: {  	[sflag:s11] =	ssyncadd.s32 $0xFFFFE000;
	s16 =	sadd.s32 s12, s17  }
0xc2: {  	[hbm4b:s16+s2] =	stream.linear.scatter [tilespmem:s25], [sflag:$0x12], $0x2000, $0x38;
	[tilespmem:$0x168A0] =	vst v63  }
0xc3: {  	_ =	swait.ge [sflag:s13], $0x2000  }
0xc4: {  	[sflag:s13] =	ssyncset.done $0x0  }
0xc5: {  	s17 =	simm.s32 @!p3 $0x88A0;
	s16 =	sadd.s32 @!p3 $0xFFFFFF80, s6;
	[sflag:s13] =	ssyncadd.s32 $0xFFFFE000  }
0xc6: {  	[tilespmem:s17], [sflag:$0x4] =	stream.indirect.gather @!p3 [spmem:s1], $0x40, s16, s14, $0xb8;
	[tilespmem:$0x168A0] =	vst v63  }
0xc7: {  	_ =	swait.ge [sflag:s15], $0x2000  }
0xc8: {  	s19 =	rddreg [dreg:$0x5];
	[sflag:s15] =	ssyncset.done $0x0  }
0xc9: {  	[sflag:s15] =	ssyncadd.s32 $0xFFFFE000;
	s16 =	sadd.s32 s12, s19  }
0xca: {  	[hbm4b:s16+s2] =	stream.linear.scatter [tilespmem:s18], [sflag:$0x13], $0x2000, $0x38;
	[tilespmem:$0x168A0] =	vst v63  }
0xcb: {  	s5 =	smov.u32 s9;
	s9 =	sadd.s32 $0x2800, s9;
	_ =	swait.ge [sflag:s3], $0x2000  }
0xcc: {  	p2 =	sne.s32 s9, $0xC800;
	[sflag:s3] =	ssyncset.done $0x0  }
.Ltmp0:
0xcd: {  	s16 =	simm.s32 @!p3 $0xA8A0;
	[sflag:s3] =	ssyncadd.s32 $0xFFFFE000;
	(pc) =	sbr.rel @p2 .LBB2_2-.Ltmp0, $4  }
0xce: {  	[tilespmem:s16], [sflag:$0x5] =	stream.indirect.gather @!p3 [spmem:s1], $0x40, s6, s14, $0xb8;
	[tilespmem:$0x168A0] =	vst v63  }
0xcf: {  	_ =	swait.ge [sflag:s4], $0x2000  }
0xd0: {  	s6 =	smov.u32 s10;
	[sflag:s4] =	ssyncset.done $0x0  }
0xd1: {  	s10 =	sadd.s32 $0x500, s10;
	s14 =	rddreg [dreg:$0x4];
	[sflag:s4] =	ssyncadd.s32 $0xFFFFE000  }
0xd2: {  	s9 =	sadd.s32 s12, s14;
	s10 =	simm.s32 @!p1 $0x10;
	s19 =	simm.s32 $0x148A0  }
0xd3: {  	[hbm4b:s9+s2] =	stream.linear.scatter [tilespmem:s19], [sflag:$0x14], $0x2000, $0x38;
	[tilespmem:$0x168A0] =	vst v63  }
0xd4: {  	_ =	swait.ge @!p1 [sflag:s10], $0x2000  }
0xd5: {  	s12 =	sadd.s32 $0x280, s7;
	[sflag:s10] =	ssyncset.done @!p1 $0x0  }
0xd6: {  	s14 =	simm.s32 $0xC8A0;
	s16 =	simm.s32 $0x1;
	[sflag:s10] =	ssyncadd.s32 @!p1 $0xFFFFE000  }
0xd7: {  	[tilespmem:s14], [sflag:$0x6] =	stream.indirect.gather [spmem:s1], $0x40, s12, s8, $0xb8;
	[tilespmem:$0x168A0] =	vst v63  }
0xd8: {  	_ =	swait.ge [sflag:s16], $0x2000  }
0xd9: {  	s18 =	simm.s32 $0x28A0;
	s17 =	rddreg [dreg:$0xd];
	[sflag:s16] =	ssyncset.done $0x0  }
0xda: {  	s10 =	simm.s32 @!p1 $0x11;
	[sflag:s16] =	ssyncadd.s32 $0xFFFFE000;
	s9 =	sadd.s32 s5, s17  }
0xdb: {  	[hbm4b:s9+s2] =	stream.linear.scatter [tilespmem:s18], [sflag:$0xB], $0x2000, $0x38;
	[tilespmem:$0x168A0] =	vst v63  }
0xdc: {  	_ =	swait.ge @!p1 [sflag:s10], $0x2000  }
0xdd: {  	s12 =	simm.s32 $0x2;
	[sflag:s10] =	ssyncset.done @!p1 $0x0  }
0xde: {  	s16 =	simm.s32 $0xE8A0;
	[sflag:s10] =	ssyncadd.s32 @!p1 $0xFFFFE000;
	s10 =	sadd.s32 $0x300, s7  }
0xdf: {  	[tilespmem:s16], [sflag:$0x7] =	stream.indirect.gather [spmem:s1], $0x40, s10, s8, $0xb8;
	[tilespmem:$0x168A0] =	vst v63  }
0xe0: {  	_ =	swait.ge [sflag:s12], $0x2000  }
0xe1: {  	s18 =	simm.s32 $0x48A0;
	s17 =	rddreg [dreg:$0xc];
	[sflag:s12] =	ssyncset.done $0x0  }
0xe2: {  	s10 =	simm.s32 @!p1 $0x12;
	[sflag:s12] =	ssyncadd.s32 $0xFFFFE000;
	s9 =	sadd.s32 s5, s17  }
0xe3: {  	[hbm4b:s9+s2] =	stream.linear.scatter [tilespmem:s18], [sflag:$0xC], $0x2000, $0x38;
	[tilespmem:$0x168A0] =	vst v63  }
0xe4: {  	_ =	swait.ge @!p1 [sflag:s10], $0x2000  }
0xe5: {  	[sflag:s10] =	ssyncset.done @!p1 $0x0  }
0xe6: {  	s17 =	simm.s32 $0x108A0;
	[sflag:s10] =	ssyncadd.s32 @!p1 $0xFFFFE000;
	s10 =	sadd.s32 $0x380, s7  }
0xe7: {  	[tilespmem:s17], [sflag:$0x8] =	stream.indirect.gather [spmem:s1], $0x40, s10, s8, $0xb8;
	[tilespmem:$0x168A0] =	vst v63  }
0xe8: {  	_ =	swait.ge [sflag:s22], $0x2000  }
0xe9: {  	s18 =	simm.s32 $0x68A0;
	s12 =	rddreg [dreg:$0xb];
	[sflag:s22] =	ssyncset.done $0x0  }
0xea: {  	s10 =	simm.s32 @!p1 $0x13;
	[sflag:s22] =	ssyncadd.s32 $0xFFFFE000;
	s9 =	sadd.s32 s5, s12  }
0xeb: {  	[hbm4b:s9+s2] =	stream.linear.scatter [tilespmem:s18], [sflag:$0xD], $0x2000, $0x38;
	[tilespmem:$0x168A0] =	vst v63  }
0xec: {  	_ =	swait.ge @!p1 [sflag:s10], $0x2000  }
0xed: {  	[sflag:s10] =	ssyncset.done @!p1 $0x0  }
0xee: {  	s12 =	sadd.s32 $0x400, s7;
	s18 =	simm.s32 $0x128A0;
	[sflag:s10] =	ssyncadd.s32 @!p1 $0xFFFFE000  }
0xef: {  	[tilespmem:s18], [sflag:$0x9] =	stream.indirect.gather [spmem:s1], $0x40, s12, s8, $0xb8;
	[tilespmem:$0x168A0] =	vst v63  }
0xf0: {  	_ =	swait.ge [sflag:s24], $0x2000  }
0xf1: {  	s12 =	simm.s32 $0x88A0;
	s10 =	rddreg [dreg:$0xa];
	[sflag:s24] =	ssyncset.done $0x0  }
0xf2: {  	[sflag:s24] =	ssyncadd.s32 $0xFFFFE000;
	s9 =	sadd.s32 s5, s10;
	s10 =	simm.s32 @!p1 $0x14  }
0xf3: {  	[hbm4b:s9+s2] =	stream.linear.scatter [tilespmem:s12], [sflag:$0xE], $0x2000, $0x38;
	[tilespmem:$0x168A0] =	vst v63  }
0xf4: {  	_ =	swait.ge @!p1 [sflag:s10], $0x2000  }
0xf5: {  	[sflag:s10] =	ssyncset.done @!p1 $0x0  }
0xf6: {  	s12 =	sadd.s32 $0x480, s7;
	[sflag:s10] =	ssyncadd.s32 @!p1 $0xFFFFE000  }
0xf7: {  	[tilespmem:s19], [sflag:$0xA] =	stream.indirect.gather [spmem:s1], $0x40, s12, s8, $0xb8;
	[tilespmem:$0x168A0] =	vst v63  }
0xf8: {  	_ =	swait.ge [sflag:s26], $0x2000  }
0xf9: {  	s9 =	rddreg [dreg:$0x9];
	[sflag:s26] =	ssyncset.done $0x0  }
0xfa: {  	s10 =	simm.s32 $0xA8A0;
	[sflag:s26] =	ssyncadd.s32 $0xFFFFE000;
	s7 =	sadd.s32 s5, s9  }
0xfb: {  	[hbm4b:s7+s2] =	stream.linear.scatter [tilespmem:s10], [sflag:$0xF], $0x2000, $0x38;
	[tilespmem:$0x168A0] =	vst v63  }
0xfc: {  	p1 =	seq.s32 s5, $0xA000;
	_ =	swait.ge [sflag:s28], $0x2000  }
0xfd: {  	s9 =	simm.s32 @!p1 $0x80;
	[sflag:s28] =	ssyncset.done $0x0  }
0xfe: {  	s7 =	sadd.s32 @!p1 $0xFFFFFE00, s6;
	s10 =	simm.s32 @!p1 $0x28A0;
	[sflag:s28] =	ssyncadd.s32 $0xFFFFE000  }
0xff: {  	[tilespmem:s10], [sflag:$0x1] =	stream.indirect.gather @!p1 [spmem:s1], $0x40, s7, s9, $0xb8;
	[tilespmem:$0x168A0] =	vst v63  }
0x100: {  	_ =	swait.ge [sflag:s29], $0x2000  }
0x101: {  	s12 =	rddreg [dreg:$0x8];
	[sflag:s29] =	ssyncset.done $0x0  }
0x102: {  	[sflag:s29] =	ssyncadd.s32 $0xFFFFE000;
	s7 =	sadd.s32 s5, s12  }
0x103: {  	[hbm4b:s7+s2] =	stream.linear.scatter [tilespmem:s14], [sflag:$0x10], $0x2000, $0x38;
	[tilespmem:$0x168A0] =	vst v63  }
0x104: {  	_ =	swait.ge [sflag:s30], $0x2000  }
0x105: {  	[sflag:s30] =	ssyncset.done $0x0  }
0x106: {  	s10 =	simm.s32 @!p1 $0x48A0;
	s7 =	sadd.s32 @!p1 $0xFFFFFE80, s6;
	[sflag:s30] =	ssyncadd.s32 $0xFFFFE000  }
0x107: {  	[tilespmem:s10], [sflag:$0x2] =	stream.indirect.gather @!p1 [spmem:s1], $0x40, s7, s9, $0xb8;
	[tilespmem:$0x168A0] =	vst v63  }
0x108: {  	_ =	swait.ge [sflag:s31], $0x2000  }
0x109: {  	s14 =	rddreg [dreg:$0x7];
	[sflag:s31] =	ssyncset.done $0x0  }
0x10a: {  	[sflag:s31] =	ssyncadd.s32 $0xFFFFE000;
	s7 =	sadd.s32 s5, s14  }
0x10b: {  	[hbm4b:s7+s2] =	stream.linear.scatter [tilespmem:s16], [sflag:$0x11], $0x2000, $0x38;
	[tilespmem:$0x168A0] =	vst v63  }
0x10c: {  	_ =	swait.ge [sflag:s0], $0x2000  }
0x10d: {  	[sflag:s0] =	ssyncset.done $0x0  }
0x10e: {  	s10 =	simm.s32 @!p1 $0x68A0;
	s7 =	sadd.s32 @!p1 $0xFFFFFF00, s6;
	[sflag:s0] =	ssyncadd.s32 $0xFFFFE000  }
0x10f: {  	[tilespmem:s10], [sflag:$0x3] =	stream.indirect.gather @!p1 [spmem:s1], $0x40, s7, s9, $0xb8;
	[tilespmem:$0x168A0] =	vst v63  }
0x110: {  	_ =	swait.ge [sflag:s11], $0x2000  }
0x111: {  	s16 =	rddreg [dreg:$0x6];
	[sflag:s11] =	ssyncset.done $0x0  }
0x112: {  	[sflag:s11] =	ssyncadd.s32 $0xFFFFE000;
	s7 =	sadd.s32 s5, s16  }
0x113: {  	[hbm4b:s7+s2] =	stream.linear.scatter [tilespmem:s17], [sflag:$0x12], $0x2000, $0x38;
	[tilespmem:$0x168A0] =	vst v63  }
0x114: {  	_ =	swait.ge [sflag:s13], $0x2000  }
0x115: {  	[sflag:s13] =	ssyncset.done $0x0  }
0x116: {  	s10 =	simm.s32 @!p1 $0x88A0;
	s7 =	sadd.s32 @!p1 $0xFFFFFF80, s6;
	[sflag:s13] =	ssyncadd.s32 $0xFFFFE000  }
0x117: {  	[tilespmem:s10], [sflag:$0x4] =	stream.indirect.gather @!p1 [spmem:s1], $0x40, s7, s9, $0xb8;
	[tilespmem:$0x168A0] =	vst v63  }
0x118: {  	_ =	swait.ge [sflag:s15], $0x2000  }
0x119: {  	s17 =	rddreg [dreg:$0x5];
	[sflag:s15] =	ssyncset.done $0x0  }
0x11a: {  	[sflag:s15] =	ssyncadd.s32 $0xFFFFE000;
	s7 =	sadd.s32 s5, s17  }
0x11b: {  	[hbm4b:s7+s2] =	stream.linear.scatter [tilespmem:s18], [sflag:$0x13], $0x2000, $0x38;
	[tilespmem:$0x168A0] =	vst v63  }
0x11c: {  	_ =	swait.ge [sflag:s3], $0x2000  }
0x11d: {  	[sflag:s3] =	ssyncset.done $0x0  }
0x11e: {  	s7 =	simm.s32 @!p1 $0xA8A0;
	[sflag:s3] =	ssyncadd.s32 $0xFFFFE000  }
0x11f: {  	[tilespmem:s7], [sflag:$0x5] =	stream.indirect.gather @!p1 [spmem:s1], $0x40, s6, s9, $0xb8;
	[tilespmem:$0x168A0] =	vst v63  }
0x120: {  	_ =	swait.ge [sflag:s4], $0x2000  }
0x121: {  	s18 =	rddreg [dreg:$0x4];
	[sflag:s4] =	ssyncset.done $0x0  }
0x122: {  	s9 =	simm.s32 $0x10;
	s7 =	sadd.s32 s5, s18;
	[sflag:s4] =	ssyncadd.s32 $0xFFFFE000  }
0x123: {  	[hbm4b:s7+s2] =	stream.linear.scatter [tilespmem:s19], [sflag:$0x14], $0x2000, $0x38;
	[tilespmem:$0x168A0] =	vst v63  }
0x124: {  	_ =	swait.ge [sflag:s9], $0x2000  }
0x125: {  	[sflag:s9] =	ssyncset.done $0x0  }
0x126: {  	s10 =	simm.s32 $0x11;
	[sflag:s9] =	ssyncadd.s32 $0xFFFFE000  }
0x127: {  	_ =	swait.ge [sflag:s10], $0x2000  }
0x128: {  	[sflag:s10] =	ssyncset.done $0x0  }
0x129: {  	s12 =	simm.s32 $0x12;
	[sflag:s10] =	ssyncadd.s32 $0xFFFFE000  }
0x12a: {  	_ =	swait.ge [sflag:s12], $0x2000  }
0x12b: {  	[sflag:s12] =	ssyncset.done $0x0  }
0x12c: {  	s14 =	simm.s32 $0x13;
	[sflag:s12] =	ssyncadd.s32 $0xFFFFE000  }
0x12d: {  	_ =	swait.ge [sflag:s14], $0x2000  }
0x12e: {  	[sflag:s14] =	ssyncset.done $0x0  }
0x12f: {  	s16 =	simm.s32 $0x14;
	[sflag:s14] =	ssyncadd.s32 $0xFFFFE000  }
0x130: {  	_ =	swait.ge [sflag:s16], $0x2000  }
0x131: {  	s17 =	rddreg [dreg:$0x12]  }
0x132: {  	s19 =	rddreg [dreg:$0x10];
	s7 =	sadd.s32 $0x1, s17  }
0x133: {  	p1 =	sne.s32 s7, s19  }
.Ltmp1:
0x134: {  	_ = 	snop;
	(pc) =	sbr.rel @p1 .LBB2_1-.Ltmp1, $3  }
0x135: {  	_ =	sdelay $0x1  }
0x136: {  	[sflag:s16] =	ssyncset.done $0x0  }
0x137: {  	s18 =	simm.s32 $0x148A0;
	[sflag:s16] =	ssyncadd.s32 $0xFFFFE000  }
0x138: {  	_ =	sfence.sel $0x180000  }
0x139: {  	[bflag:$0x0] =	sbarrier.arrive $0xFFFF  }
0x13a: {  	_ =	strace $0x90000047  }
0x13b: {  	[bflag:$0x2] =	sbarrier.arrive $0xFFFF  }
0x13c: {  	s0 =	rddreg [dreg:$0x3]  }
0x13d: {  	s0 =	sadd.s32 @!p0 $0x100000, s0  }
0x13e: {  	[sflag:s0] =	ssyncadd.tile.s32 @!p0 $0x1;
	_ =	shalt  }
.Lfunc_end2:
_tile_overlayer_lowered:
.L_overlay_start_2:
0x13f: {  	(tag) =	ssettag $0x2  }
0x140: {  	s0 =	rddreg [dreg:$0x0];
	s2 =	stileid.u32  }
0x141: {  	s1 =	rddreg [dreg:$0x1];
	p0 =	sne.s32 s2, $0x0  }
0x142: {  	s3 =	rddreg [dreg:$0x2];
	[bflag:$0x3] =	sbarrier.arrive $0xFFFF;
	s2 =	simm.s32 @!p0 $0x1C15  }
0x143: {  	[timem:s3], [sflag:s2] =	dma.local @!p0 [hbm:s0], s1  }
0x144: {  	s0 =	simm.s32 @!p0 $0x15  }
0x145: {  	_ =	swait.ge @!p0 [sflag:s0], s1  }
0x146: {  	s1 =	ssub.s32 @!p0 $0x0, s1;
	[sflag:s0] =	ssyncset.done @!p0 $0x0  }
0x147: {  	[sflag:s0] =	ssyncadd.s32 @!p0 s1  }
0x148: {  	[bflag:$0x3] =	sbarrier.arrive $0xFFFF  }
0x149: {  	_ =	shalt  }

// kernel: sparse-core-data-format-call.cloned.1.call-start
scs
called_computation_lowered:
.L_overlay_start_0:
0x0: {  	s2 =	sld [smem:$0x3FD9]  }
0x1: {  	s3 =	sld [smem:$0x3FFE];
	_ =	sdelay $0x1  }
0x2: {  	s1 =	srdreg.scid  }
0x3: {  	s0 =	sand.u32 $0x1, s1  }
0x4: {  	s18 =	sshll.u32 s0, $0xA;
	s2 =	sadd.s32 s3, s2  }
0x5: {  	s2 =	sadd.s32 s2, s18  }
0x6: {  	[smem:$0x3FC6] =	sst s2  }
0x7: {  	_ = 	snop  }
0x8: {  	s2 =	sld [smem:$0x3FD0];
	(tm) =	ssettm $0x1  }
0x9: {  	s19 =	sld [smem:$0x3FFB];
	_ =	sdelay $0x3  }
0xa: {  	_ =	strace s19  }
0xb: {  	s3 =	sld [smem:$0x3FFC];
	_ =	sdelay $0x3  }
0xc: {  	_ =	strace s3  }
0xd: {  	s3 =	sld [smem:$0x3FFD];
	_ =	sdelay $0x3  }
0xe: {  	_ =	strace s3  }
0xf: {  	_ =	strace $0x8FFFFFFF  }
0x10: {  	s20 =	sld [smem:$0x3FDB];
	_ =	sdelay $0x1  }
0x11: {  	s4 =	simm.s32 $_scs_section_size  }
0x12: {  	s5 =	simm.s32 $_size__tile_overlayer_lowered;
	s6 =	simm.s32 $_tile_overlayer_lowered  }
0x13: {  	s23 =	simm.s32 $0x1BFF;
	s22 =	sshll.u32 s6, $0x1;
	s3 =	sadd.s32 s4, s20  }
0x14: {  	s7 =	simm.s32 $0x0;
	s21 =	sshll.u32 s5, $0x1;
	s5 =	sadd.s32 s22, s3  }
0x15: {  	[timem:s7], [sflag:s23] =	dma.local [hbm:s5], s21  }
0x16: {  	_ =	swait.ge [sflag:s23], s21  }
0x17: {  	s4 =	ssub.s32 $0x0, s21;
	[sflag:s23] =	ssyncset.done $0x0  }
0x18: {  	[sflag:s23] =	ssyncadd.s32 s4;
	_ =	sdelay $0x1  }
0x19: {  	s24 =	simm.s32 $0x1B8B  }
0x1a: {  	_ =	swait.ge [sflag:s24], $0x1  }
0x1b: {  	[sflag:s24] =	ssyncset.done $0x0  }
0x1c: {  	s26 =	simm.s32 $0x1B8E;
	s25 =	sld [smem:$0x3FFE];
	[sflag:s24] =	ssyncadd.s32 $0xFFFFFFFF  }
0x1d: {  	s27 =	simm.s32 $execute0_lowered;
	[smem:$0x3FD2] =	sst s26  }
0x1e: {  	s5 =	sshll.u32 s27, $0x1;
	_ =	strace $0x80000049;
	[dreg:$0x1] =	wrdreg $0xFFFFFFFF  }
0x1f: {  	s28 =	simm.s32 $_size_execute0_lowered;
	s3 =	sadd.s32 s3, s5;
	[dreg:$0x0] =	wrdreg $0x0  }
0x20: {  	s5 =	sshll.u32 s28, $0x1;
	[dreg:$0x2] =	wrdreg s3  }
0x21: {  	[dreg:$0x3] =	wrdreg s5  }
0x22: {  	[dreg:$0x4] =	wrdreg $0xC0  }
0x23: {  	_ =	task [dreg:s7], $0x5FFFF  }
0x24: {  	[dreg:$0x1] =	wrdreg $0xFFFFFFFF  }
0x25: {  	[dreg:$0x0] =	wrdreg $0x60  }
0x26: {  	[dreg:$0x2] =	wrdreg s25  }
0x27: {  	[dreg:$0x3] =	wrdreg s2  }
0x28: {  	[dreg:$0x4] =	wrdreg $0x9  }
0x29: {  	_ =	task.clear_ibuf [dreg:s7], $0x5FFFF;
	_ =	strace $0x90000049  }
0x2a: {  	s29 =	simm.s32 $0x9;
	_ =	strace $0x8000004B  }
0x2b: {  	_ =	swait.ge [sflag:s29], $0x1  }
0x2c: {  	[sflag:s29] =	ssyncadd.s32 $0xFFFFFFFF  }
0x2d: {  	_ =	strace $0x9000004B  }
0x2e: {  	_ =	sfence  }
0x2f: {  	s30 =	sld [smem:$0x0];
	_ =	sdelay $0x2  }
0x30: {  	s31 =	sshll.u32 s1, $0xD;
	s1 =	sshrl.u32 s1, $0x2  }
0x31: {  	s3 =	sand.u32 $0x4000, s31;
	s1 =	sadd.s32 s1, s30  }
0x32: {  	s0 =	sor.u32 s3, s0;
	s1 =	sshll.u32 s1, $0x11  }
0x33: {  	s0 =	sor.u32 s1, s0  }
0x34: {  	s0 =	sadd.s32 $0x8F2B, s0  }
0x35: {  	[sflag:s0] =	ssyncadd.remote.s32 $0x1  }
0x36: {  	_ =	sfence.sel $0xFFFF  }
0x37: {  	[dreg:$0x0] =	wrdreg $0xFFFFFFFF;
	(pc) =	sbr.abs _section_cstart, $3  }
0x38: {  	[dreg:$0x1] =	wrdreg $0xFFFFFFFF  }
0x39: {  	_ =	task.clear_ibuf [dreg:s7], $0x2FFFF;
	_ =	strace $0x9FFFFFFF  }
0x3a: {  	(tm) =	ssettm $0x7FFFFFFF  }
0x3b: {  	_ =	shalt  }
tec
execute0_lowered:
.L_overlay_start_1:
0x0: {  	(tag) =	ssettag $0x1  }
0x1: {  	s0 =	srdreg.scid  }
0x2: {  	s1 =	sshll.u32 s0, $0x4  }
0x3: {  	s4 =	rddreg [dreg:$0x0];
	s0 =	stileid.u32;
	s1 =	sand.u32 $0x10, s1  }
0x4: {  	s2 =	rddreg [dreg:$0x1];
	s7 =	simm.s32 $0x1;
	s1 =	sor.u32 s0, s1  }
0x5: {  	s8 =	simm.s32 $0x2;
	s11 =	simm.s32 $0x0;
	s3 =	sshll.u32 s1, $0x7  }
0x6: {  	s10 =	simm.s32 $0x0;
	s4 =	sadd.s32 $0x800, s4;
	s6 =	ssub.s32 $0x32000, s3  }
.Ltmp0:
0x7: {  	s1 =	rddreg [dreg:$0x2];
	s5 =	sand.u32 $0xF80, s6;
	(pc) =	sbr.rel .LBB1_1-.Ltmp0, $4  }
0x8: {  	_ =	strace $0x8000004A;
	s9 =	smov.u32 s3;
	p0 =	sne.s32 s5, $0x0  }
0x9: {  	s6 =	sshrl.u32 s6, $0xC;
	s5 =	simm.s32 $0x1;
	s7 =	simm.s32 @!p0 $0x0  }
0xa: {  	[sflag:s5] =	ssyncpa.u1 $0x0;
	p0 =	por $0x0, $0x0;
	s6 =	sadd.s32 s7, s6  }
0xb: {  	[sflag:s8] =	ssyncpa.u1 $0x0;
	s8 =	simm.s32 $0x190000;
	s7 =	sadd.s32 $0x1, s6  }
.LBB1_4:
0xc: {  	s14 =	sshll.u32 s11, $0x3  }
0xd: {  	s30 =	sand.u32 $0x7F, s11;
	s15 =	sand.u32 $0xFFFFFC00, s14  }
0xe: {  	s11 =	sor.u32 s30, s15  }
0xf: {  	s15 =	smulhi.u32 $0x51EB851F, s11  }
0x10: {  	s14 =	smulhi.u32 $0x51EB851F, s14  }
0x11: {  	s15 =	sshrl.u32 s15, $0x10  }
0x12: {  	s14 =	sshrl.u32 s14, $0x10;
	s15 =	smul.u32 $0x32000, s15  }
0x13: {  	s14 =	sand.u32 $0x3F, s14  }
0x14: {  	s14 =	smul.u32 $0x6400, s14;
	s11 =	ssub.s32 s11, s15  }
0x15: {  	[tilespmem:s13+$0x810 ss:$0x81] =	vst.msk $0xffff, v2;
	s15 =	sand.u32 $0x7, s11  }
0x16: {  	[tilespmem:s13+$0x1020 ss:$0x81] =	vst.msk $0xffff, v0;
	s14 =	sadd.s32 s2, s14;
	s11 =	sshrl.u32 s11, $0x3;
	s15 =	sshll.u32 s15, $0x12  }
0x17: {  	[tilespmem:s13+$0x0 ss:$0x81] =	vst.msk $0xffff, v1;
	s11 =	sadd.s32 s11, s14;
	s31 =	sor.u32 $0x400, s15  }
0x18: {  	[hbm4b:s11+s31] =	stream.strided.scatter [tilespmem:s12], [sflag:$0x2], $0x2000, s8, s31, $0x20;
	[tilespmem:$0x8080] =	vst v63  }
.LBB1_5:
0x19: {  	s13 =	sadd.s32 $0x1000, s9  }
0x1a: {  	p2 =	sgt.s32 s13, $0x31FFF  }
0x1b: {  	s13 =	smov.u32 @p2 s3;
	p2 =	sne.s32 s10, s7  }
.Ltmp1:
0x1c: {  	p1 =	slt.u32 s10, $0x2;
	(pc) =	sbr.rel @!p2 .LBB1_6-.Ltmp1, $4  }
0x1d: {  	s12 =	simm.s32 @!p1 $0x2  }
0x1e: {  	s14 =	sadd.s32 $0x1, s10;
	_ =	swait.ge @!p1 [sflag:s12], $0x2000  }
0x1f: {  	s11 =	smov.u32 s9;
	p0 =	por !p0, !p0;
	[sflag:s12] =	ssyncset.done @!p1 $0x0  }
0x20: {  	s10 =	smov.u32 s14;
	s9 =	smov.u32 s13;
	[sflag:s12] =	ssyncadd.s32 @!p1 $0xFFFFE000  }
.LBB1_1:
0x21: {  	p1 =	sge.u32 s10, s6  }
0x22: {  	s12 =	sand.u32 @!p1 $0x1FFFFFF, s9  }
0x23: {  	s13 =	smulhi.u32 @!p1 $0x147AE15, s12;
	_ =	sdelay $0x1  }
0x24: {  	s13 =	sshrl.u32 @!p1 s13, $0xA  }
0x25: {  	s13 =	smul.u32 @!p1 $0x32000, s13;
	_ =	sdelay $0x1  }
0x26: {  	s31 =	sadd.s32 $0xFFFFFFFF, s10;
	s14 =	sxor.u32 @!p1 $0xFFFFFFFF, s10;
	s12 =	ssub.s32 @!p1 s12, s13  }
0x27: {  	s15 =	simm.s32 @!p1 $0x80;
	s14 =	sshll.u32 @!p1 s14, $0xD;
	s12 =	sshll.u32 @!p1 s12, $0x4  }
0x28: {  	s13 =	sand.u32 @!p1 $0x2000, s14;
	s14 =	simm.s32 @!p1 $0x40;
	s12 =	sadd.s32 @!p1 s4, s12  }
0x29: {  	[tilespmem:s13], [sflag:$0x1] =	stream.strided.gather @!p1 [hbm4b:s12+s14], $0x2000, s15, s14, $0x38;
	[tilespmem:$0x8080] =	vst v63  }
0x2a: {  	p1 =	sge.u32 s31, s6  }
.Ltmp2:
0x2b: {  	_ = 	snop;
	(pc) =	sbr.rel @p1 .LBB1_5-.Ltmp2, $1  }
0x2c: {  	_ =	sdelay $0x3  }
0x2d: {  	s12 =	simm.s32 $0x1  }
0x2e: {  	_ =	swait.ge [sflag:s5], $0x2000;
	s12 =	simm.s32 @!p0 $0x0  }
0x2f: {  	[sflag:s5] =	ssyncset.done $0x0;
	s13 =	sshll.u32 s12, $0xD  }
0x30: {  	[sflag:s5] =	ssyncadd.s32 $0xFFFFE000;
	s16 =	sor.u32 $0x20, s13  }
0x31: {  	s12 =	smul.u32 $0x8100, s12;
	v3 =	vld [tilespmem:s16+$0x10]  }
0x32: {  	s30 =	sand.u32 $0x1, s10;
	v2 =	vld [tilespmem:s16+$0xFFFFFFF0]  }
0x33: {  	s13 =	smul.u32 $0x8100, s30;
	s12 =	sshrl.u32 s12, $0x2;
	v0 =	vld [tilespmem:s16+$0x0]  }
0x34: {  	v1 =	vld [tilespmem:s16+$0xFFFFFFE0];
	s14 =	sor.u32 $0x4000, s12  }
0x35: {  	s31 =	sshrl.u32 s13, $0x2;
	s13 =	sadd.s32 $0x0, s14  }
0x36: {  	s15 =	simm.s32 $0x4;
	s16 =	sadd.s32 $0x40, s16;
	s12 =	sor.u32 $0x4000, s31;
	[tilespmem:s13+$0x1830 ss:$0x81] =	vst.msk $0xffff, v3  }
.LBB1_3:
0x37: {  	v3 =	vld [tilespmem:s16+$0x10];
	p1 =	sne.s32 s15, $0x1FC;
	[tilespmem:s13+$0x810 ss:$0x81] =	vst.msk $0xffff, v2;
	s17 =	smov.u32 s15;
	s15 =	sadd.s32 $0x4, s15  }
.Ltmp3:
0x38: {  	v2 =	vld [tilespmem:s16+$0xFFFFFFF0];
	[tilespmem:s13+$0x1020 ss:$0x81] =	vst.msk $0xffff, v0;
	(pc) =	sbr.rel @p1 .LBB1_3-.Ltmp3, $4  }
0x39: {  	v0 =	vld [tilespmem:s16+$0x0];
	[tilespmem:s13+$0x0 ss:$0x81] =	vst.msk $0xffff, v1  }
0x3a: {  	s13 =	sshra.s32 s17, $0x2;
	v1 =	vld [tilespmem:s16+$0xFFFFFFE0]  }
0x3b: {  	s13 =	sadd.s32 s13, s14  }
0x3c: {  	s16 =	sadd.s32 $0x40, s16;
	[tilespmem:s13+$0x1830 ss:$0x81] =	vst.msk $0xffff, v3  }
.Ltmp4:
0x3d: {  	_ = 	snop;
	(pc) =	sbr.rel .LBB1_4-.Ltmp4, $1  }
0x3e: {  	_ =	sdelay $0x3  }
.LBB1_6:
0x3f: {  	_ =	sfence.sel $0x180000  }
0x40: {  	s2 =	simm.s32 $0x1;
	[bflag:$0x0] =	sbarrier.arrive $0xFFFF  }
0x41: {  	s31 =	simm.s32 $0x2;
	[sflag:s2] =	ssyncpa.u1 $0x1  }
0x42: {  	[sflag:s31] =	ssyncpa.u1 $0x1  }
0x43: {  	p0 =	sne.s32 s0, $0x0;
	_ =	strace $0x9000004A  }
0x44: {  	s0 =	sadd.s32 @!p0 $0x100000, s1;
	[bflag:$0x2] =	sbarrier.arrive $0xFFFF  }
0x45: {  	[sflag:s0] =	ssyncadd.tile.s32 @!p0 $0x1;
	_ =	shalt  }
.Lfunc_end1:
_tile_overlayer_lowered:
.L_overlay_start_2:
0x46: {  	(tag) =	ssettag $0x2  }
0x47: {  	s0 =	rddreg [dreg:$0x0];
	s2 =	stileid.u32  }
0x48: {  	s1 =	rddreg [dreg:$0x1];
	p0 =	sne.s32 s2, $0x0  }
0x49: {  	s3 =	rddreg [dreg:$0x2];
	[bflag:$0x3] =	sbarrier.arrive $0xFFFF;
	s2 =	simm.s32 @!p0 $0x1C01  }
0x4a: {  	[timem:s3], [sflag:s2] =	dma.local @!p0 [hbm:s0], s1  }
0x4b: {  	s0 =	simm.s32 @!p0 $0x1  }
0x4c: {  	_ =	swait.ge @!p0 [sflag:s0], s1  }
0x4d: {  	s1 =	ssub.s32 @!p0 $0x0, s1;
	[sflag:s0] =	ssyncset.done @!p0 $0x0  }
0x4e: {  	[sflag:s0] =	ssyncadd.s32 @!p0 s1  }
0x4f: {  	[bflag:$0x3] =	sbarrier.arrive $0xFFFF  }
0x50: {  	_ =	shalt  }

</sc_bundles>
